<compile_context>
chip_gen: v7x
topology: tpu7x:2x2x1
jax: 0.10.2.dev20260603
libtpu: 0.0.44.dev20260713+nightly
codegen_flags: <defaults>
</compile_context>

<pallas_src>
import functools

import jax
import jax.numpy as jnp
from jax import lax
from jax.experimental import pallas as pl
from jax.experimental.pallas import tpu as pltpu
from jax.experimental.pallas import tpu_sc as plsc

_B, _S, _C = 4096, 26, 1000
_NW = 32
_BPW = _B // _NW
_IPW = _BPW * _S
_CW = 200
_NCW = _C // _CW
_NSTEP = _S * _NCW


def _scatter_val(buf, idx_v, step, vals):
    s = step // _NCW
    c0 = (step % _NCW) * _CW
    lane = lax.iota(jnp.int32, 16)
    svec = jnp.full((16,), s, jnp.int32)
    for g in range(_BPW // 16):
        blane = g * 16 + lane
        cols = plsc.load_gather(idx_v, [svec, blane])
        rel = cols - c0
        m = (rel >= 0) & (rel < _CW)
        plsc.store_scatter(buf, [rel, blane], vals, mask=m)


def _body(idx_hbm, out_hbm, idx_v, buf0, buf1, sem0, sem1):
    wid = lax.axis_index("s") * 2 + lax.axis_index("c")
    b0 = wid * _BPW
    pltpu.sync_copy(idx_hbm.at[:, pl.ds(b0, _BPW)], idx_v)

    bufs = (buf0, buf1)
    sems = (sem0, sem1)
    zeros16 = jnp.zeros((16,), jnp.float32)
    ones = jnp.full((16,), 1.0, jnp.float32)
    zeros = jnp.zeros((16,), jnp.float32)

    def make_zero_body(r):
        def zero_body(i, _):
            for c in range(_BPW // 16):
                bufs[r][i, pl.ds(c * 16, 16)] = zeros16
            return 0
        return zero_body

    def out_slice(step):
        s = step // _NCW
        c0 = (step % _NCW) * _CW
        return out_hbm.at[s, pl.ds(c0, _CW), pl.ds(b0, _BPW)]

    for b in range(2):
        lax.fori_loop(0, _CW, make_zero_body(b), 0)
        _scatter_val(bufs[b], idx_v, b, ones)
        pltpu.async_copy(bufs[b], out_slice(b), sems[b])

    def pair_body(p, _):
        for b in range(2):
            cur = p * 2 + b
            prev = cur - 2
            pltpu.make_async_copy(bufs[b], out_slice(prev), sems[b]).wait()
            _scatter_val(bufs[b], idx_v, prev, zeros)
            _scatter_val(bufs[b], idx_v, cur, ones)
            pltpu.async_copy(bufs[b], out_slice(cur), sems[b])
        return 0

    lax.fori_loop(1, _NSTEP // 2, pair_body, 0)

    for b in range(2):
        last = _NSTEP - 2 + b
        pltpu.make_async_copy(bufs[b], out_slice(last), sems[b]).wait()


@jax.jit
def _onehot(idx2d):
    mesh = plsc.VectorSubcoreMesh(core_axis_name="c", subcore_axis_name="s")
    res = pl.kernel(
        _body,
        out_type=jax.ShapeDtypeStruct((_S, _C, _B), jnp.float32),
        mesh=mesh,
        compiler_params=pltpu.CompilerParams(
            needs_layout_passes=False, skip_device_barrier=True),
        scratch_types=[
            pltpu.VMEM((_S, _BPW), jnp.int32),
            pltpu.VMEM((_CW, _BPW), jnp.float32),
            pltpu.VMEM((_CW, _BPW), jnp.float32),
            pltpu.SemaphoreType.DMA,
            pltpu.SemaphoreType.DMA,
        ],
    )(idx2d)
    return jnp.transpose(res, (2, 0, 1))


def kernel(inputs):
    return _onehot(inputs.astype(jnp.int32).T)

# --- scband reference (transcript-rebuilt; emitter-appended) ---
"""Pipeline reference for scband-one-hot-layer-46110768890530 (READ-ONLY COPY).

The authoritative reference and input builder live on the scoring server;
editing this copy changes nothing except your own understanding.
"""

import jax, jax.numpy as jnp
import numpy as np

NUM_CLASSES = 1000
AXIS = -1

def setup_inputs(seed: int = 0) -> dict:
    key = jax.random.key(seed)
    inputs = jax.random.randint(key, (4096, 26), 0, NUM_CLASSES, dtype=jnp.int64 if jax.config.jax_enable_x64 else jnp.int32)
    return {"inputs": inputs}

def reference(inputs) -> jnp.ndarray:
    # keras.ops.one_hot(inputs, num_classes, axis=-1)
    out = jax.nn.one_hot(inputs, NUM_CLASSES, axis=AXIS, dtype=jnp.float32)
    return out

if __name__ == "__main__":
    import jax
    _d = setup_inputs()
    print(jax.jit(kernel)(*tuple(_d.values())))

</pallas_src>

<mosaic_0001>
#map = affine_map<(d0, d1) -> (0, 0)>
#map1 = affine_map<(d0, d1) -> (0, 0, 0)>
module attributes {stable_mosaic.version = 14 : i64} {
  func.func @_body(%arg0: i32, %arg1: i32, %arg2: memref<26x4096xi32, #tpu.memory_space<hbm>>, %arg3: memref<26x1000x4096xf32, #tpu.memory_space<hbm>>, %arg4: memref<26x128xi32, #tpu.memory_space<vmem>>, %arg5: memref<200x128xf32, #tpu.memory_space<vmem>>, %arg6: memref<200x128xf32, #tpu.memory_space<vmem>>, %arg7: memref<!tpu.dma_semaphore, #tpu.memory_space<semaphore_mem>>, %arg8: memref<!tpu.dma_semaphore, #tpu.memory_space<semaphore_mem>>) attributes {dimension_semantics = [#tpu.dimension_semantics<core_parallel>, #tpu.dimension_semantics<subcore_parallel>], iteration_bounds = array<i64: 2, 16>, scalar_prefetch = 0 : i64, scratch_operands = 5 : i64, tpu.core_type = #tpu.core_type<sc_vector_subcore>, window_params = [{transform_indices = #map}, {transform_indices = #map1}]} {
    %mul3A = arith.constant 2 : i32
    %mul3A_0 = arith.muli %arg1, %mul3A : i32
    %add3A = arith.addi %mul3A_0, %arg0 : i32
    %mul3A_1 = arith.constant 128 : i32
    %mul3A_2 = arith.muli %add3A, %mul3A_1 : i32
    "tpu.region"() ({
      %run_scoped3A = tpu.sem_alloc : memref<!tpu.dma_semaphore, #tpu.memory_space<semaphore_mem>>
      %dma_start3A_278 = arith.constant 0 : i32
      %dma_start3A_279 = tpu.memref_slice %arg2[%dma_start3A_278, %mul3A_2] : memref<26x4096xi32, #tpu.memory_space<hbm>> -> memref<26x128xi32, #tpu.memory_space<hbm>>
      %dma_start3A_280 = arith.constant 0 : i32
      %dma_start3A_281 = tpu.memref_slice %arg2[%dma_start3A_280, %mul3A_2] : memref<26x4096xi32, #tpu.memory_space<hbm>> -> memref<26x128xi32, #tpu.memory_space<hbm>>
      tpu.enqueue_dma source(%dma_start3A_281 : memref<26x128xi32, #tpu.memory_space<hbm>>) target(%arg4 : memref<26x128xi32, #tpu.memory_space<vmem>>) target_semaphore(%run_scoped3A : memref<!tpu.dma_semaphore, #tpu.memory_space<semaphore_mem>>)
      %dma_wait3A_282 = arith.constant 0 : i32
      %dma_wait3A_283 = tpu.memref_slice %arg2[%dma_wait3A_282, %mul3A_2] : memref<26x4096xi32, #tpu.memory_space<hbm>> -> memref<26x128xi32, #tpu.memory_space<hbm>>
      %dma_wait3A_284 = arith.constant 0 : i32
      %dma_wait3A_285 = tpu.memref_slice %arg2[%dma_wait3A_284, %mul3A_2] : memref<26x4096xi32, #tpu.memory_space<hbm>> -> memref<26x128xi32, #tpu.memory_space<hbm>>
      tpu.wait_dma2 semaphore(%run_scoped3A : memref<!tpu.dma_semaphore, #tpu.memory_space<semaphore_mem>>) src(%dma_wait3A_285 : memref<26x128xi32, #tpu.memory_space<hbm>>) dst(%arg4 : memref<26x128xi32, #tpu.memory_space<vmem>>)
      tpu.yield
    }) : () -> ()
    %broadcast_in_dim3A = arith.constant 0.000000e+00 : f32
    %broadcast_in_dim3A_3 = vector.broadcast %broadcast_in_dim3A : f32 to vector<16xf32>
    %broadcast_in_dim3A_4 = arith.constant 1.000000e+00 : f32
    %broadcast_in_dim3A_5 = vector.broadcast %broadcast_in_dim3A_4 : f32 to vector<16xf32>
    %broadcast_in_dim3A_6 = arith.constant 0.000000e+00 : f32
    %broadcast_in_dim3A_7 = vector.broadcast %broadcast_in_dim3A_6 : f32 to vector<16xf32>
    %scan3A = arith.constant 0 : i32
    %scan3A_8 = arith.constant 0 : i32
    %scan3A_9 = arith.constant 200 : i32
    %scan3A_10 = arith.addi %scan3A_8, %scan3A_9 : i32
    %scan3A_11 = arith.constant 1 : i32
    %scan3A_12 = scf.for %scan3A_278 = %scan3A_8 to %scan3A_10 step %scan3A_11 iter_args(%scan3A_279 = %scan3A) -> (i32)  : i32 {
      %swap3A = arith.index_cast %scan3A_278 : i32 to index
      %swap3A_280 = arith.constant 0 : index
      %swap3A_281 = tpu.vector_load %arg5[%swap3A, %swap3A_280] {strides = array<i32>} : memref<200x128xf32, #tpu.memory_space<vmem>>, vector<16xf32>,
      tpu.vector_store %arg5[%swap3A, %swap3A_280], %broadcast_in_dim3A_3 {strides = array<i32>} : memref<200x128xf32, #tpu.memory_space<vmem>>, vector<16xf32>,
      %swap3A_282 = arith.index_cast %scan3A_278 : i32 to index
      %swap3A_283 = arith.constant 16 : index
      %swap3A_284 = tpu.vector_load %arg5[%swap3A_282, %swap3A_283] {strides = array<i32>} : memref<200x128xf32, #tpu.memory_space<vmem>>, vector<16xf32>,
      tpu.vector_store %arg5[%swap3A_282, %swap3A_283], %broadcast_in_dim3A_3 {strides = array<i32>} : memref<200x128xf32, #tpu.memory_space<vmem>>, vector<16xf32>,
      %swap3A_285 = arith.index_cast %scan3A_278 : i32 to index
      %swap3A_286 = arith.constant 32 : index
      %swap3A_287 = tpu.vector_load %arg5[%swap3A_285, %swap3A_286] {strides = array<i32>} : memref<200x128xf32, #tpu.memory_space<vmem>>, vector<16xf32>,
      tpu.vector_store %arg5[%swap3A_285, %swap3A_286], %broadcast_in_dim3A_3 {strides = array<i32>} : memref<200x128xf32, #tpu.memory_space<vmem>>, vector<16xf32>,
      %swap3A_288 = arith.index_cast %scan3A_278 : i32 to index
      %swap3A_289 = arith.constant 48 : index
      %swap3A_290 = tpu.vector_load %arg5[%swap3A_288, %swap3A_289] {strides = array<i32>} : memref<200x128xf32, #tpu.memory_space<vmem>>, vector<16xf32>,
      tpu.vector_store %arg5[%swap3A_288, %swap3A_289], %broadcast_in_dim3A_3 {strides = array<i32>} : memref<200x128xf32, #tpu.memory_space<vmem>>, vector<16xf32>,
      %swap3A_291 = arith.index_cast %scan3A_278 : i32 to index
      %swap3A_292 = arith.constant 64 : index
      %swap3A_293 = tpu.vector_load %arg5[%swap3A_291, %swap3A_292] {strides = array<i32>} : memref<200x128xf32, #tpu.memory_space<vmem>>, vector<16xf32>,
      tpu.vector_store %arg5[%swap3A_291, %swap3A_292], %broadcast_in_dim3A_3 {strides = array<i32>} : memref<200x128xf32, #tpu.memory_space<vmem>>, vector<16xf32>,
      %swap3A_294 = arith.index_cast %scan3A_278 : i32 to index
      %swap3A_295 = arith.constant 80 : index
      %swap3A_296 = tpu.vector_load %arg5[%swap3A_294, %swap3A_295] {strides = array<i32>} : memref<200x128xf32, #tpu.memory_space<vmem>>, vector<16xf32>,
      tpu.vector_store %arg5[%swap3A_294, %swap3A_295], %broadcast_in_dim3A_3 {strides = array<i32>} : memref<200x128xf32, #tpu.memory_space<vmem>>, vector<16xf32>,
      %swap3A_297 = arith.index_cast %scan3A_278 : i32 to index
      %swap3A_298 = arith.constant 96 : index
      %swap3A_299 = tpu.vector_load %arg5[%swap3A_297, %swap3A_298] {strides = array<i32>} : memref<200x128xf32, #tpu.memory_space<vmem>>, vector<16xf32>,
      tpu.vector_store %arg5[%swap3A_297, %swap3A_298], %broadcast_in_dim3A_3 {strides = array<i32>} : memref<200x128xf32, #tpu.memory_space<vmem>>, vector<16xf32>,
      %swap3A_300 = arith.index_cast %scan3A_278 : i32 to index
      %swap3A_301 = arith.constant 112 : index
      %swap3A_302 = tpu.vector_load %arg5[%swap3A_300, %swap3A_301] {strides = array<i32>} : memref<200x128xf32, #tpu.memory_space<vmem>>, vector<16xf32>,
      tpu.vector_store %arg5[%swap3A_300, %swap3A_301], %broadcast_in_dim3A_3 {strides = array<i32>} : memref<200x128xf32, #tpu.memory_space<vmem>>, vector<16xf32>,
      %scan3A_303 = arith.constant 0 : i32
      scf.yield %scan3A_303 : i32
    }
    %scan3A_13 = arith.constant 200 : i32
    %iota3A = tpu.iota {dimensions = array<i32: 0>} : vector<16xi32>
    %broadcast_in_dim3A_14 = arith.constant 0 : i32
    %broadcast_in_dim3A_15 = vector.broadcast %broadcast_in_dim3A_14 : i32 to vector<16xi32>
    %add3A_16 = arith.constant 0 : i32
    %add3A_17 = vector.broadcast %add3A_16 : i32 to vector<16xi32>
    %add3A_18 = arith.addi %add3A_17, %iota3A : vector<16xi32>
    %gather3A = tpu.vector_load_idx %arg4[%broadcast_in_dim3A_15, %add3A_18] : memref<26x128xi32, #tpu.memory_space<vmem>>[vector<16xi32>, vector<16xi32>], vector<16xi32>,
    %sub3A = arith.constant 0 : i32
    %sub3A_19 = vector.broadcast %sub3A : i32 to vector<16xi32>
    %sub3A_20 = arith.subi %gather3A, %sub3A_19 : vector<16xi32>
    %ge3A = arith.constant 0 : i32
    %ge3A_21 = vector.broadcast %ge3A : i32 to vector<16xi32>
    %ge3A_22 = arith.cmpi sge, %sub3A_20, %ge3A_21 : vector<16xi32>
    %lt3A = arith.constant 200 : i32
    %lt3A_23 = vector.broadcast %lt3A : i32 to vector<16xi32>
    %lt3A_24 = arith.cmpi slt, %sub3A_20, %lt3A_23 : vector<16xi32>
    %and3A = arith.andi %ge3A_22, %lt3A_24 : vector<16xi1>
    tpu.vector_store_idx %arg5[%sub3A_20, %add3A_18], %broadcast_in_dim3A_5 masked %and3A : memref<200x128xf32, #tpu.memory_space<vmem>>[vector<16xi32>, vector<16xi32>], vector<16xf32>, vector<16xi1>
    %add3A_25 = arith.constant 16 : i32
    %add3A_26 = vector.broadcast %add3A_25 : i32 to vector<16xi32>
    %add3A_27 = arith.addi %add3A_26, %iota3A : vector<16xi32>
    %gather3A_28 = tpu.vector_load_idx %arg4[%broadcast_in_dim3A_15, %add3A_27] : memref<26x128xi32, #tpu.memory_space<vmem>>[vector<16xi32>, vector<16xi32>], vector<16xi32>,
    %sub3A_29 = arith.constant 0 : i32
    %sub3A_30 = vector.broadcast %sub3A_29 : i32 to vector<16xi32>
    %sub3A_31 = arith.subi %gather3A_28, %sub3A_30 : vector<16xi32>
    %ge3A_32 = arith.constant 0 : i32
    %ge3A_33 = vector.broadcast %ge3A_32 : i32 to vector<16xi32>
    %ge3A_34 = arith.cmpi sge, %sub3A_31, %ge3A_33 : vector<16xi32>
    %lt3A_35 = arith.constant 200 : i32
    %lt3A_36 = vector.broadcast %lt3A_35 : i32 to vector<16xi32>
    %lt3A_37 = arith.cmpi slt, %sub3A_31, %lt3A_36 : vector<16xi32>
    %and3A_38 = arith.andi %ge3A_34, %lt3A_37 : vector<16xi1>
    tpu.vector_store_idx %arg5[%sub3A_31, %add3A_27], %broadcast_in_dim3A_5 masked %and3A_38 : memref<200x128xf32, #tpu.memory_space<vmem>>[vector<16xi32>, vector<16xi32>], vector<16xf32>, vector<16xi1>
    %add3A_39 = arith.constant 32 : i32
    %add3A_40 = vector.broadcast %add3A_39 : i32 to vector<16xi32>
    %add3A_41 = arith.addi %add3A_40, %iota3A : vector<16xi32>
    %gather3A_42 = tpu.vector_load_idx %arg4[%broadcast_in_dim3A_15, %add3A_41] : memref<26x128xi32, #tpu.memory_space<vmem>>[vector<16xi32>, vector<16xi32>], vector<16xi32>,
    %sub3A_43 = arith.constant 0 : i32
    %sub3A_44 = vector.broadcast %sub3A_43 : i32 to vector<16xi32>
    %sub3A_45 = arith.subi %gather3A_42, %sub3A_44 : vector<16xi32>
    %ge3A_46 = arith.constant 0 : i32
    %ge3A_47 = vector.broadcast %ge3A_46 : i32 to vector<16xi32>
    %ge3A_48 = arith.cmpi sge, %sub3A_45, %ge3A_47 : vector<16xi32>
    %lt3A_49 = arith.constant 200 : i32
    %lt3A_50 = vector.broadcast %lt3A_49 : i32 to vector<16xi32>
    %lt3A_51 = arith.cmpi slt, %sub3A_45, %lt3A_50 : vector<16xi32>
    %and3A_52 = arith.andi %ge3A_48, %lt3A_51 : vector<16xi1>
    tpu.vector_store_idx %arg5[%sub3A_45, %add3A_41], %broadcast_in_dim3A_5 masked %and3A_52 : memref<200x128xf32, #tpu.memory_space<vmem>>[vector<16xi32>, vector<16xi32>], vector<16xf32>, vector<16xi1>
    %add3A_53 = arith.constant 48 : i32
    %add3A_54 = vector.broadcast %add3A_53 : i32 to vector<16xi32>
    %add3A_55 = arith.addi %add3A_54, %iota3A : vector<16xi32>
    %gather3A_56 = tpu.vector_load_idx %arg4[%broadcast_in_dim3A_15, %add3A_55] : memref<26x128xi32, #tpu.memory_space<vmem>>[vector<16xi32>, vector<16xi32>], vector<16xi32>,
    %sub3A_57 = arith.constant 0 : i32
    %sub3A_58 = vector.broadcast %sub3A_57 : i32 to vector<16xi32>
    %sub3A_59 = arith.subi %gather3A_56, %sub3A_58 : vector<16xi32>
    %ge3A_60 = arith.constant 0 : i32
    %ge3A_61 = vector.broadcast %ge3A_60 : i32 to vector<16xi32>
    %ge3A_62 = arith.cmpi sge, %sub3A_59, %ge3A_61 : vector<16xi32>
    %lt3A_63 = arith.constant 200 : i32
    %lt3A_64 = vector.broadcast %lt3A_63 : i32 to vector<16xi32>
    %lt3A_65 = arith.cmpi slt, %sub3A_59, %lt3A_64 : vector<16xi32>
    %and3A_66 = arith.andi %ge3A_62, %lt3A_65 : vector<16xi1>
    tpu.vector_store_idx %arg5[%sub3A_59, %add3A_55], %broadcast_in_dim3A_5 masked %and3A_66 : memref<200x128xf32, #tpu.memory_space<vmem>>[vector<16xi32>, vector<16xi32>], vector<16xf32>, vector<16xi1>
    %add3A_67 = arith.constant 64 : i32
    %add3A_68 = vector.broadcast %add3A_67 : i32 to vector<16xi32>
    %add3A_69 = arith.addi %add3A_68, %iota3A : vector<16xi32>
    %gather3A_70 = tpu.vector_load_idx %arg4[%broadcast_in_dim3A_15, %add3A_69] : memref<26x128xi32, #tpu.memory_space<vmem>>[vector<16xi32>, vector<16xi32>], vector<16xi32>,
    %sub3A_71 = arith.constant 0 : i32
    %sub3A_72 = vector.broadcast %sub3A_71 : i32 to vector<16xi32>
    %sub3A_73 = arith.subi %gather3A_70, %sub3A_72 : vector<16xi32>
    %ge3A_74 = arith.constant 0 : i32
    %ge3A_75 = vector.broadcast %ge3A_74 : i32 to vector<16xi32>
    %ge3A_76 = arith.cmpi sge, %sub3A_73, %ge3A_75 : vector<16xi32>
    %lt3A_77 = arith.constant 200 : i32
    %lt3A_78 = vector.broadcast %lt3A_77 : i32 to vector<16xi32>
    %lt3A_79 = arith.cmpi slt, %sub3A_73, %lt3A_78 : vector<16xi32>
    %and3A_80 = arith.andi %ge3A_76, %lt3A_79 : vector<16xi1>
    tpu.vector_store_idx %arg5[%sub3A_73, %add3A_69], %broadcast_in_dim3A_5 masked %and3A_80 : memref<200x128xf32, #tpu.memory_space<vmem>>[vector<16xi32>, vector<16xi32>], vector<16xf32>, vector<16xi1>
    %add3A_81 = arith.constant 80 : i32
    %add3A_82 = vector.broadcast %add3A_81 : i32 to vector<16xi32>
    %add3A_83 = arith.addi %add3A_82, %iota3A : vector<16xi32>
    %gather3A_84 = tpu.vector_load_idx %arg4[%broadcast_in_dim3A_15, %add3A_83] : memref<26x128xi32, #tpu.memory_space<vmem>>[vector<16xi32>, vector<16xi32>], vector<16xi32>,
    %sub3A_85 = arith.constant 0 : i32
    %sub3A_86 = vector.broadcast %sub3A_85 : i32 to vector<16xi32>
    %sub3A_87 = arith.subi %gather3A_84, %sub3A_86 : vector<16xi32>
    %ge3A_88 = arith.constant 0 : i32
    %ge3A_89 = vector.broadcast %ge3A_88 : i32 to vector<16xi32>
    %ge3A_90 = arith.cmpi sge, %sub3A_87, %ge3A_89 : vector<16xi32>
    %lt3A_91 = arith.constant 200 : i32
    %lt3A_92 = vector.broadcast %lt3A_91 : i32 to vector<16xi32>
    %lt3A_93 = arith.cmpi slt, %sub3A_87, %lt3A_92 : vector<16xi32>
    %and3A_94 = arith.andi %ge3A_90, %lt3A_93 : vector<16xi1>
    tpu.vector_store_idx %arg5[%sub3A_87, %add3A_83], %broadcast_in_dim3A_5 masked %and3A_94 : memref<200x128xf32, #tpu.memory_space<vmem>>[vector<16xi32>, vector<16xi32>], vector<16xf32>, vector<16xi1>
    %add3A_95 = arith.constant 96 : i32
    %add3A_96 = vector.broadcast %add3A_95 : i32 to vector<16xi32>
    %add3A_97 = arith.addi %add3A_96, %iota3A : vector<16xi32>
    %gather3A_98 = tpu.vector_load_idx %arg4[%broadcast_in_dim3A_15, %add3A_97] : memref<26x128xi32, #tpu.memory_space<vmem>>[vector<16xi32>, vector<16xi32>], vector<16xi32>,
    %sub3A_99 = arith.constant 0 : i32
    %sub3A_100 = vector.broadcast %sub3A_99 : i32 to vector<16xi32>
    %sub3A_101 = arith.subi %gather3A_98, %sub3A_100 : vector<16xi32>
    %ge3A_102 = arith.constant 0 : i32
    %ge3A_103 = vector.broadcast %ge3A_102 : i32 to vector<16xi32>
    %ge3A_104 = arith.cmpi sge, %sub3A_101, %ge3A_103 : vector<16xi32>
    %lt3A_105 = arith.constant 200 : i32
    %lt3A_106 = vector.broadcast %lt3A_105 : i32 to vector<16xi32>
    %lt3A_107 = arith.cmpi slt, %sub3A_101, %lt3A_106 : vector<16xi32>
    %and3A_108 = arith.andi %ge3A_104, %lt3A_107 : vector<16xi1>
    tpu.vector_store_idx %arg5[%sub3A_101, %add3A_97], %broadcast_in_dim3A_5 masked %and3A_108 : memref<200x128xf32, #tpu.memory_space<vmem>>[vector<16xi32>, vector<16xi32>], vector<16xf32>, vector<16xi1>
    %add3A_109 = arith.constant 112 : i32
    %add3A_110 = vector.broadcast %add3A_109 : i32 to vector<16xi32>
    %add3A_111 = arith.addi %add3A_110, %iota3A : vector<16xi32>
    %gather3A_112 = tpu.vector_load_idx %arg4[%broadcast_in_dim3A_15, %add3A_111] : memref<26x128xi32, #tpu.memory_space<vmem>>[vector<16xi32>, vector<16xi32>], vector<16xi32>,
    %sub3A_113 = arith.constant 0 : i32
    %sub3A_114 = vector.broadcast %sub3A_113 : i32 to vector<16xi32>
    %sub3A_115 = arith.subi %gather3A_112, %sub3A_114 : vector<16xi32>
    %ge3A_116 = arith.constant 0 : i32
    %ge3A_117 = vector.broadcast %ge3A_116 : i32 to vector<16xi32>
    %ge3A_118 = arith.cmpi sge, %sub3A_115, %ge3A_117 : vector<16xi32>
    %lt3A_119 = arith.constant 200 : i32
    %lt3A_120 = vector.broadcast %lt3A_119 : i32 to vector<16xi32>
    %lt3A_121 = arith.cmpi slt, %sub3A_115, %lt3A_120 : vector<16xi32>
    %and3A_122 = arith.andi %ge3A_118, %lt3A_121 : vector<16xi1>
    tpu.vector_store_idx %arg5[%sub3A_115, %add3A_111], %broadcast_in_dim3A_5 masked %and3A_122 : memref<200x128xf32, #tpu.memory_space<vmem>>[vector<16xi32>, vector<16xi32>], vector<16xf32>, vector<16xi1>
    %dma_start3A = arith.constant 0 : i32
    %dma_start3A_123 = arith.constant 0 : i32
    %dma_start3A_124 = tpu.memref_slice %arg3[%dma_start3A, %dma_start3A_123, %mul3A_2] : memref<26x1000x4096xf32, #tpu.memory_space<hbm>> -> memref<1x200x128xf32, #tpu.memory_space<hbm>>
    %dma_start3A_125 = tpu.memref_squeeze %dma_start3A_124 : memref<1x200x128xf32, #tpu.memory_space<hbm>> -> memref<200x128xf32, #tpu.memory_space<hbm>>
    %dma_start3A_126 = arith.constant 0 : i32
    %dma_start3A_127 = tpu.memref_slice %arg3[%dma_start3A, %dma_start3A_126, %mul3A_2] : memref<26x1000x4096xf32, #tpu.memory_space<hbm>> -> memref<1x200x128xf32, #tpu.memory_space<hbm>>
    %dma_start3A_128 = tpu.memref_squeeze %dma_start3A_127 : memref<1x200x128xf32, #tpu.memory_space<hbm>> -> memref<200x128xf32, #tpu.memory_space<hbm>>
    tpu.enqueue_dma source(%arg5 : memref<200x128xf32, #tpu.memory_space<vmem>>) target(%dma_start3A_128 : memref<200x128xf32, #tpu.memory_space<hbm>>) target_semaphore(%arg7 : memref<!tpu.dma_semaphore, #tpu.memory_space<semaphore_mem>>)
    %scan3A_129 = arith.constant 0 : i32
    %scan3A_130 = arith.constant 0 : i32
    %scan3A_131 = arith.constant 200 : i32
    %scan3A_132 = arith.addi %scan3A_130, %scan3A_131 : i32
    %scan3A_133 = arith.constant 1 : i32
    %scan3A_134 = scf.for %scan3A_278 = %scan3A_130 to %scan3A_132 step %scan3A_133 iter_args(%scan3A_279 = %scan3A_129) -> (i32)  : i32 {
      %swap3A = arith.index_cast %scan3A_278 : i32 to index
      %swap3A_280 = arith.constant 0 : index
      %swap3A_281 = tpu.vector_load %arg6[%swap3A, %swap3A_280] {strides = array<i32>} : memref<200x128xf32, #tpu.memory_space<vmem>>, vector<16xf32>,
      tpu.vector_store %arg6[%swap3A, %swap3A_280], %broadcast_in_dim3A_3 {strides = array<i32>} : memref<200x128xf32, #tpu.memory_space<vmem>>, vector<16xf32>,
      %swap3A_282 = arith.index_cast %scan3A_278 : i32 to index
      %swap3A_283 = arith.constant 16 : index
      %swap3A_284 = tpu.vector_load %arg6[%swap3A_282, %swap3A_283] {strides = array<i32>} : memref<200x128xf32, #tpu.memory_space<vmem>>, vector<16xf32>,
      tpu.vector_store %arg6[%swap3A_282, %swap3A_283], %broadcast_in_dim3A_3 {strides = array<i32>} : memref<200x128xf32, #tpu.memory_space<vmem>>, vector<16xf32>,
      %swap3A_285 = arith.index_cast %scan3A_278 : i32 to index
      %swap3A_286 = arith.constant 32 : index
      %swap3A_287 = tpu.vector_load %arg6[%swap3A_285, %swap3A_286] {strides = array<i32>} : memref<200x128xf32, #tpu.memory_space<vmem>>, vector<16xf32>,
      tpu.vector_store %arg6[%swap3A_285, %swap3A_286], %broadcast_in_dim3A_3 {strides = array<i32>} : memref<200x128xf32, #tpu.memory_space<vmem>>, vector<16xf32>,
      %swap3A_288 = arith.index_cast %scan3A_278 : i32 to index
      %swap3A_289 = arith.constant 48 : index
      %swap3A_290 = tpu.vector_load %arg6[%swap3A_288, %swap3A_289] {strides = array<i32>} : memref<200x128xf32, #tpu.memory_space<vmem>>, vector<16xf32>,
      tpu.vector_store %arg6[%swap3A_288, %swap3A_289], %broadcast_in_dim3A_3 {strides = array<i32>} : memref<200x128xf32, #tpu.memory_space<vmem>>, vector<16xf32>,
      %swap3A_291 = arith.index_cast %scan3A_278 : i32 to index
      %swap3A_292 = arith.constant 64 : index
      %swap3A_293 = tpu.vector_load %arg6[%swap3A_291, %swap3A_292] {strides = array<i32>} : memref<200x128xf32, #tpu.memory_space<vmem>>, vector<16xf32>,
      tpu.vector_store %arg6[%swap3A_291, %swap3A_292], %broadcast_in_dim3A_3 {strides = array<i32>} : memref<200x128xf32, #tpu.memory_space<vmem>>, vector<16xf32>,
      %swap3A_294 = arith.index_cast %scan3A_278 : i32 to index
      %swap3A_295 = arith.constant 80 : index
      %swap3A_296 = tpu.vector_load %arg6[%swap3A_294, %swap3A_295] {strides = array<i32>} : memref<200x128xf32, #tpu.memory_space<vmem>>, vector<16xf32>,
      tpu.vector_store %arg6[%swap3A_294, %swap3A_295], %broadcast_in_dim3A_3 {strides = array<i32>} : memref<200x128xf32, #tpu.memory_space<vmem>>, vector<16xf32>,
      %swap3A_297 = arith.index_cast %scan3A_278 : i32 to index
      %swap3A_298 = arith.constant 96 : index
      %swap3A_299 = tpu.vector_load %arg6[%swap3A_297, %swap3A_298] {strides = array<i32>} : memref<200x128xf32, #tpu.memory_space<vmem>>, vector<16xf32>,
      tpu.vector_store %arg6[%swap3A_297, %swap3A_298], %broadcast_in_dim3A_3 {strides = array<i32>} : memref<200x128xf32, #tpu.memory_space<vmem>>, vector<16xf32>,
      %swap3A_300 = arith.index_cast %scan3A_278 : i32 to index
      %swap3A_301 = arith.constant 112 : index
      %swap3A_302 = tpu.vector_load %arg6[%swap3A_300, %swap3A_301] {strides = array<i32>} : memref<200x128xf32, #tpu.memory_space<vmem>>, vector<16xf32>,
      tpu.vector_store %arg6[%swap3A_300, %swap3A_301], %broadcast_in_dim3A_3 {strides = array<i32>} : memref<200x128xf32, #tpu.memory_space<vmem>>, vector<16xf32>,
      %scan3A_303 = arith.constant 0 : i32
      scf.yield %scan3A_303 : i32
    }
    %scan3A_135 = arith.constant 200 : i32
    %iota3A_136 = tpu.iota {dimensions = array<i32: 0>} : vector<16xi32>
    %broadcast_in_dim3A_137 = arith.constant 0 : i32
    %broadcast_in_dim3A_138 = vector.broadcast %broadcast_in_dim3A_137 : i32 to vector<16xi32>
    %add3A_139 = arith.constant 0 : i32
    %add3A_140 = vector.broadcast %add3A_139 : i32 to vector<16xi32>
    %add3A_141 = arith.addi %add3A_140, %iota3A_136 : vector<16xi32>
    %gather3A_142 = tpu.vector_load_idx %arg4[%broadcast_in_dim3A_138, %add3A_141] : memref<26x128xi32, #tpu.memory_space<vmem>>[vector<16xi32>, vector<16xi32>], vector<16xi32>,
    %sub3A_143 = arith.constant 200 : i32
    %sub3A_144 = vector.broadcast %sub3A_143 : i32 to vector<16xi32>
    %sub3A_145 = arith.subi %gather3A_142, %sub3A_144 : vector<16xi32>
    %ge3A_146 = arith.constant 0 : i32
    %ge3A_147 = vector.broadcast %ge3A_146 : i32 to vector<16xi32>
    %ge3A_148 = arith.cmpi sge, %sub3A_145, %ge3A_147 : vector<16xi32>
    %lt3A_149 = arith.constant 200 : i32
    %lt3A_150 = vector.broadcast %lt3A_149 : i32 to vector<16xi32>
    %lt3A_151 = arith.cmpi slt, %sub3A_145, %lt3A_150 : vector<16xi32>
    %and3A_152 = arith.andi %ge3A_148, %lt3A_151 : vector<16xi1>
    tpu.vector_store_idx %arg6[%sub3A_145, %add3A_141], %broadcast_in_dim3A_5 masked %and3A_152 : memref<200x128xf32, #tpu.memory_space<vmem>>[vector<16xi32>, vector<16xi32>], vector<16xf32>, vector<16xi1>
    %add3A_153 = arith.constant 16 : i32
    %add3A_154 = vector.broadcast %add3A_153 : i32 to vector<16xi32>
    %add3A_155 = arith.addi %add3A_154, %iota3A_136 : vector<16xi32>
    %gather3A_156 = tpu.vector_load_idx %arg4[%broadcast_in_dim3A_138, %add3A_155] : memref<26x128xi32, #tpu.memory_space<vmem>>[vector<16xi32>, vector<16xi32>], vector<16xi32>,
    %sub3A_157 = arith.constant 200 : i32
    %sub3A_158 = vector.broadcast %sub3A_157 : i32 to vector<16xi32>
    %sub3A_159 = arith.subi %gather3A_156, %sub3A_158 : vector<16xi32>
    %ge3A_160 = arith.constant 0 : i32
    %ge3A_161 = vector.broadcast %ge3A_160 : i32 to vector<16xi32>
    %ge3A_162 = arith.cmpi sge, %sub3A_159, %ge3A_161 : vector<16xi32>
    %lt3A_163 = arith.constant 200 : i32
    %lt3A_164 = vector.broadcast %lt3A_163 : i32 to vector<16xi32>
    %lt3A_165 = arith.cmpi slt, %sub3A_159, %lt3A_164 : vector<16xi32>
    %and3A_166 = arith.andi %ge3A_162, %lt3A_165 : vector<16xi1>
    tpu.vector_store_idx %arg6[%sub3A_159, %add3A_155], %broadcast_in_dim3A_5 masked %and3A_166 : memref<200x128xf32, #tpu.memory_space<vmem>>[vector<16xi32>, vector<16xi32>], vector<16xf32>, vector<16xi1>
    %add3A_167 = arith.constant 32 : i32
    %add3A_168 = vector.broadcast %add3A_167 : i32 to vector<16xi32>
    %add3A_169 = arith.addi %add3A_168, %iota3A_136 : vector<16xi32>
    %gather3A_170 = tpu.vector_load_idx %arg4[%broadcast_in_dim3A_138, %add3A_169] : memref<26x128xi32, #tpu.memory_space<vmem>>[vector<16xi32>, vector<16xi32>], vector<16xi32>,
    %sub3A_171 = arith.constant 200 : i32
    %sub3A_172 = vector.broadcast %sub3A_171 : i32 to vector<16xi32>
    %sub3A_173 = arith.subi %gather3A_170, %sub3A_172 : vector<16xi32>
    %ge3A_174 = arith.constant 0 : i32
    %ge3A_175 = vector.broadcast %ge3A_174 : i32 to vector<16xi32>
    %ge3A_176 = arith.cmpi sge, %sub3A_173, %ge3A_175 : vector<16xi32>
    %lt3A_177 = arith.constant 200 : i32
    %lt3A_178 = vector.broadcast %lt3A_177 : i32 to vector<16xi32>
    %lt3A_179 = arith.cmpi slt, %sub3A_173, %lt3A_178 : vector<16xi32>
    %and3A_180 = arith.andi %ge3A_176, %lt3A_179 : vector<16xi1>
    tpu.vector_store_idx %arg6[%sub3A_173, %add3A_169], %broadcast_in_dim3A_5 masked %and3A_180 : memref<200x128xf32, #tpu.memory_space<vmem>>[vector<16xi32>, vector<16xi32>], vector<16xf32>, vector<16xi1>
    %add3A_181 = arith.constant 48 : i32
    %add3A_182 = vector.broadcast %add3A_181 : i32 to vector<16xi32>
    %add3A_183 = arith.addi %add3A_182, %iota3A_136 : vector<16xi32>
    %gather3A_184 = tpu.vector_load_idx %arg4[%broadcast_in_dim3A_138, %add3A_183] : memref<26x128xi32, #tpu.memory_space<vmem>>[vector<16xi32>, vector<16xi32>], vector<16xi32>,
    %sub3A_185 = arith.constant 200 : i32
    %sub3A_186 = vector.broadcast %sub3A_185 : i32 to vector<16xi32>
    %sub3A_187 = arith.subi %gather3A_184, %sub3A_186 : vector<16xi32>
    %ge3A_188 = arith.constant 0 : i32
    %ge3A_189 = vector.broadcast %ge3A_188 : i32 to vector<16xi32>
    %ge3A_190 = arith.cmpi sge, %sub3A_187, %ge3A_189 : vector<16xi32>
    %lt3A_191 = arith.constant 200 : i32
    %lt3A_192 = vector.broadcast %lt3A_191 : i32 to vector<16xi32>
    %lt3A_193 = arith.cmpi slt, %sub3A_187, %lt3A_192 : vector<16xi32>
    %and3A_194 = arith.andi %ge3A_190, %lt3A_193 : vector<16xi1>
    tpu.vector_store_idx %arg6[%sub3A_187, %add3A_183], %broadcast_in_dim3A_5 masked %and3A_194 : memref<200x128xf32, #tpu.memory_space<vmem>>[vector<16xi32>, vector<16xi32>], vector<16xf32>, vector<16xi1>
    %add3A_195 = arith.constant 64 : i32
    %add3A_196 = vector.broadcast %add3A_195 : i32 to vector<16xi32>
    %add3A_197 = arith.addi %add3A_196, %iota3A_136 : vector<16xi32>
    %gather3A_198 = tpu.vector_load_idx %arg4[%broadcast_in_dim3A_138, %add3A_197] : memref<26x128xi32, #tpu.memory_space<vmem>>[vector<16xi32>, vector<16xi32>], vector<16xi32>,
    %sub3A_199 = arith.constant 200 : i32
    %sub3A_200 = vector.broadcast %sub3A_199 : i32 to vector<16xi32>
    %sub3A_201 = arith.subi %gather3A_198, %sub3A_200 : vector<16xi32>
    %ge3A_202 = arith.constant 0 : i32
    %ge3A_203 = vector.broadcast %ge3A_202 : i32 to vector<16xi32>
    %ge3A_204 = arith.cmpi sge, %sub3A_201, %ge3A_203 : vector<16xi32>
    %lt3A_205 = arith.constant 200 : i32
    %lt3A_206 = vector.broadcast %lt3A_205 : i32 to vector<16xi32>
    %lt3A_207 = arith.cmpi slt, %sub3A_201, %lt3A_206 : vector<16xi32>
    %and3A_208 = arith.andi %ge3A_204, %lt3A_207 : vector<16xi1>
    tpu.vector_store_idx %arg6[%sub3A_201, %add3A_197], %broadcast_in_dim3A_5 masked %and3A_208 : memref<200x128xf32, #tpu.memory_space<vmem>>[vector<16xi32>, vector<16xi32>], vector<16xf32>, vector<16xi1>
    %add3A_209 = arith.constant 80 : i32
    %add3A_210 = vector.broadcast %add3A_209 : i32 to vector<16xi32>
    %add3A_211 = arith.addi %add3A_210, %iota3A_136 : vector<16xi32>
    %gather3A_212 = tpu.vector_load_idx %arg4[%broadcast_in_dim3A_138, %add3A_211] : memref<26x128xi32, #tpu.memory_space<vmem>>[vector<16xi32>, vector<16xi32>], vector<16xi32>,
    %sub3A_213 = arith.constant 200 : i32
    %sub3A_214 = vector.broadcast %sub3A_213 : i32 to vector<16xi32>
    %sub3A_215 = arith.subi %gather3A_212, %sub3A_214 : vector<16xi32>
    %ge3A_216 = arith.constant 0 : i32
    %ge3A_217 = vector.broadcast %ge3A_216 : i32 to vector<16xi32>
    %ge3A_218 = arith.cmpi sge, %sub3A_215, %ge3A_217 : vector<16xi32>
    %lt3A_219 = arith.constant 200 : i32
    %lt3A_220 = vector.broadcast %lt3A_219 : i32 to vector<16xi32>
    %lt3A_221 = arith.cmpi slt, %sub3A_215, %lt3A_220 : vector<16xi32>
    %and3A_222 = arith.andi %ge3A_218, %lt3A_221 : vector<16xi1>
    tpu.vector_store_idx %arg6[%sub3A_215, %add3A_211], %broadcast_in_dim3A_5 masked %and3A_222 : memref<200x128xf32, #tpu.memory_space<vmem>>[vector<16xi32>, vector<16xi32>], vector<16xf32>, vector<16xi1>
    %add3A_223 = arith.constant 96 : i32
    %add3A_224 = vector.broadcast %add3A_223 : i32 to vector<16xi32>
    %add3A_225 = arith.addi %add3A_224, %iota3A_136 : vector<16xi32>
    %gather3A_226 = tpu.vector_load_idx %arg4[%broadcast_in_dim3A_138, %add3A_225] : memref<26x128xi32, #tpu.memory_space<vmem>>[vector<16xi32>, vector<16xi32>], vector<16xi32>,
    %sub3A_227 = arith.constant 200 : i32
    %sub3A_228 = vector.broadcast %sub3A_227 : i32 to vector<16xi32>
    %sub3A_229 = arith.subi %gather3A_226, %sub3A_228 : vector<16xi32>
    %ge3A_230 = arith.constant 0 : i32
    %ge3A_231 = vector.broadcast %ge3A_230 : i32 to vector<16xi32>
    %ge3A_232 = arith.cmpi sge, %sub3A_229, %ge3A_231 : vector<16xi32>
    %lt3A_233 = arith.constant 200 : i32
    %lt3A_234 = vector.broadcast %lt3A_233 : i32 to vector<16xi32>
    %lt3A_235 = arith.cmpi slt, %sub3A_229, %lt3A_234 : vector<16xi32>
    %and3A_236 = arith.andi %ge3A_232, %lt3A_235 : vector<16xi1>
    tpu.vector_store_idx %arg6[%sub3A_229, %add3A_225], %broadcast_in_dim3A_5 masked %and3A_236 : memref<200x128xf32, #tpu.memory_space<vmem>>[vector<16xi32>, vector<16xi32>], vector<16xf32>, vector<16xi1>
    %add3A_237 = arith.constant 112 : i32
    %add3A_238 = vector.broadcast %add3A_237 : i32 to vector<16xi32>
    %add3A_239 = arith.addi %add3A_238, %iota3A_136 : vector<16xi32>
    %gather3A_240 = tpu.vector_load_idx %arg4[%broadcast_in_dim3A_138, %add3A_239] : memref<26x128xi32, #tpu.memory_space<vmem>>[vector<16xi32>, vector<16xi32>], vector<16xi32>,
    %sub3A_241 = arith.constant 200 : i32
    %sub3A_242 = vector.broadcast %sub3A_241 : i32 to vector<16xi32>
    %sub3A_243 = arith.subi %gather3A_240, %sub3A_242 : vector<16xi32>
    %ge3A_244 = arith.constant 0 : i32
    %ge3A_245 = vector.broadcast %ge3A_244 : i32 to vector<16xi32>
    %ge3A_246 = arith.cmpi sge, %sub3A_243, %ge3A_245 : vector<16xi32>
    %lt3A_247 = arith.constant 200 : i32
    %lt3A_248 = vector.broadcast %lt3A_247 : i32 to vector<16xi32>
    %lt3A_249 = arith.cmpi slt, %sub3A_243, %lt3A_248 : vector<16xi32>
    %and3A_250 = arith.andi %ge3A_246, %lt3A_249 : vector<16xi1>
    tpu.vector_store_idx %arg6[%sub3A_243, %add3A_239], %broadcast_in_dim3A_5 masked %and3A_250 : memref<200x128xf32, #tpu.memory_space<vmem>>[vector<16xi32>, vector<16xi32>], vector<16xf32>, vector<16xi1>
    %dma_start3A_251 = arith.constant 0 : i32
    %dma_start3A_252 = arith.constant 200 : i32
    %dma_start3A_253 = tpu.memref_slice %arg3[%dma_start3A_251, %dma_start3A_252, %mul3A_2] : memref<26x1000x4096xf32, #tpu.memory_space<hbm>> -> memref<1x200x128xf32, #tpu.memory_space<hbm>>
    %dma_start3A_254 = tpu.memref_squeeze %dma_start3A_253 : memref<1x200x128xf32, #tpu.memory_space<hbm>> -> memref<200x128xf32, #tpu.memory_space<hbm>>
    %dma_start3A_255 = arith.constant 200 : i32
    %dma_start3A_256 = tpu.memref_slice %arg3[%dma_start3A_251, %dma_start3A_255, %mul3A_2] : memref<26x1000x4096xf32, #tpu.memory_space<hbm>> -> memref<1x200x128xf32, #tpu.memory_space<hbm>>
    %dma_start3A_257 = tpu.memref_squeeze %dma_start3A_256 : memref<1x200x128xf32, #tpu.memory_space<hbm>> -> memref<200x128xf32, #tpu.memory_space<hbm>>
    tpu.enqueue_dma source(%arg6 : memref<200x128xf32, #tpu.memory_space<vmem>>) target(%dma_start3A_257 : memref<200x128xf32, #tpu.memory_space<hbm>>) target_semaphore(%arg8 : memref<!tpu.dma_semaphore, #tpu.memory_space<semaphore_mem>>)
    %scan3A_258 = arith.constant 0 : i32
    %scan3A_259 = arith.constant 1 : i32
    %scan3A_260 = arith.constant 64 : i32
    %scan3A_261 = arith.addi %scan3A_259, %scan3A_260 : i32
    %scan3A_262 = arith.constant 1 : i32
    %scan3A_263 = scf.for %scan3A_278 = %scan3A_259 to %scan3A_261 step %scan3A_262 iter_args(%scan3A_279 = %scan3A_258) -> (i32)  : i32 {
      %mul3A_280 = arith.constant 2 : i32
      %mul3A_281 = arith.muli %scan3A_278, %mul3A_280 : i32
      %add3A_282 = arith.constant 0 : i32
      %add3A_283 = arith.addi %mul3A_281, %add3A_282 : i32
      %sub3A_284 = arith.constant 2 : i32
      %sub3A_285 = arith.subi %add3A_283, %sub3A_284 : i32
      %jit3A = arith.constant 5 : i32
      %div3A = arith.divsi %sub3A_285, %jit3A : i32
      %sign3A = arith.constant 0 : i32
      %sign3A_286 = arith.cmpi sgt, %sub3A_285, %sign3A : i32
      %sign3A_287 = arith.extui %sign3A_286 : i1 to i32
      %sign3A_288 = arith.constant 0 : i32
      %sign3A_289 = arith.cmpi slt, %sub3A_285, %sign3A_288 : i32
      %sign3A_290 = arith.extui %sign3A_289 : i1 to i32
      %sign3A_291 = arith.subi %sign3A_287, %sign3A_290 : i32
      %sign3A_292 = arith.constant 0 : i32
      %sign3A_293 = arith.cmpi sgt, %jit3A, %sign3A_292 : i32
      %sign3A_294 = arith.extui %sign3A_293 : i1 to i32
      %sign3A_295 = arith.constant 0 : i32
      %sign3A_296 = arith.cmpi slt, %jit3A, %sign3A_295 : i32
      %sign3A_297 = arith.extui %sign3A_296 : i1 to i32
      %sign3A_298 = arith.subi %sign3A_294, %sign3A_297 : i32
      %ne3A = arith.cmpi ne, %sign3A_291, %sign3A_298 : i32
      %rem3A = arith.remsi %sub3A_285, %jit3A : i32
      %ne3A_299 = arith.constant 0 : i32
      %ne3A_300 = arith.cmpi ne, %rem3A, %ne3A_299 : i32
      %and3A_301 = arith.andi %ne3A, %ne3A_300 : i1
      %sub3A_302 = arith.constant 1 : i32
      %sub3A_303 = arith.subi %div3A, %sub3A_302 : i32
      %select_n3A = arith.select %and3A_301, %sub3A_303, %div3A : i32
      %jit3A_304 = arith.constant 5 : i32
      %eq3A = arith.constant 0 : i32
      %eq3A_305 = arith.cmpi eq, %jit3A_304, %eq3A : i32
      %jit3A_306 = arith.constant 1 : i32
      %select_n3A_307 = arith.select %eq3A_305, %jit3A_306, %jit3A_304 : i32
      %rem3A_308 = arith.remsi %sub3A_285, %select_n3A_307 : i32
      %ne3A_309 = arith.constant 0 : i32
      %ne3A_310 = arith.cmpi ne, %rem3A_308, %ne3A_309 : i32
      %lt3A_311 = arith.constant 0 : i32
      %lt3A_312 = arith.cmpi slt, %rem3A_308, %lt3A_311 : i32
      %lt3A_313 = arith.constant 0 : i32
      %lt3A_314 = arith.cmpi slt, %select_n3A_307, %lt3A_313 : i32
      %ne3A_315 = arith.xori %lt3A_312, %lt3A_314 : i1
      %and3A_316 = arith.andi %ne3A_315, %ne3A_310 : i1
      %add3A_317 = arith.addi %rem3A_308, %select_n3A_307 : i32
      %select_n3A_318 = arith.select %and3A_316, %add3A_317, %rem3A_308 : i32
      %mul3A_319 = arith.constant 200 : i32
      %mul3A_320 = arith.muli %select_n3A_318, %mul3A_319 : i32
      %dma_wait3A_321 = tpu.memref_slice %arg3[%select_n3A, %mul3A_320, %mul3A_2] : memref<26x1000x4096xf32, #tpu.memory_space<hbm>> -> memref<1x200x128xf32, #tpu.memory_space<hbm>>
      %dma_wait3A_322 = tpu.memref_squeeze %dma_wait3A_321 : memref<1x200x128xf32, #tpu.memory_space<hbm>> -> memref<200x128xf32, #tpu.memory_space<hbm>>
      %dma_wait3A_323 = tpu.memref_slice %arg3[%select_n3A, %mul3A_320, %mul3A_2] : memref<26x1000x4096xf32, #tpu.memory_space<hbm>> -> memref<1x200x128xf32, #tpu.memory_space<hbm>>
      %dma_wait3A_324 = tpu.memref_squeeze %dma_wait3A_323 : memref<1x200x128xf32, #tpu.memory_space<hbm>> -> memref<200x128xf32, #tpu.memory_space<hbm>>
      tpu.wait_dma2 semaphore(%arg7 : memref<!tpu.dma_semaphore, #tpu.memory_space<semaphore_mem>>) src(%arg5 : memref<200x128xf32, #tpu.memory_space<vmem>>) dst(%dma_wait3A_324 : memref<200x128xf32, #tpu.memory_space<hbm>>)
      %jit3A_325 = arith.constant 5 : i32
      %div3A_326 = arith.divsi %sub3A_285, %jit3A_325 : i32
      %sign3A_327 = arith.constant 0 : i32
      %sign3A_328 = arith.cmpi sgt, %sub3A_285, %sign3A_327 : i32
      %sign3A_329 = arith.extui %sign3A_328 : i1 to i32
      %sign3A_330 = arith.constant 0 : i32
      %sign3A_331 = arith.cmpi slt, %sub3A_285, %sign3A_330 : i32
      %sign3A_332 = arith.extui %sign3A_331 : i1 to i32
      %sign3A_333 = arith.subi %sign3A_329, %sign3A_332 : i32
      %sign3A_334 = arith.constant 0 : i32
      %sign3A_335 = arith.cmpi sgt, %jit3A_325, %sign3A_334 : i32
      %sign3A_336 = arith.extui %sign3A_335 : i1 to i32
      %sign3A_337 = arith.constant 0 : i32
      %sign3A_338 = arith.cmpi slt, %jit3A_325, %sign3A_337 : i32
      %sign3A_339 = arith.extui %sign3A_338 : i1 to i32
      %sign3A_340 = arith.subi %sign3A_336, %sign3A_339 : i32
      %ne3A_341 = arith.cmpi ne, %sign3A_333, %sign3A_340 : i32
      %rem3A_342 = arith.remsi %sub3A_285, %jit3A_325 : i32
      %ne3A_343 = arith.constant 0 : i32
      %ne3A_344 = arith.cmpi ne, %rem3A_342, %ne3A_343 : i32
      %and3A_345 = arith.andi %ne3A_341, %ne3A_344 : i1
      %sub3A_346 = arith.constant 1 : i32
      %sub3A_347 = arith.subi %div3A_326, %sub3A_346 : i32
      %select_n3A_348 = arith.select %and3A_345, %sub3A_347, %div3A_326 : i32
      %jit3A_349 = arith.constant 5 : i32
      %eq3A_350 = arith.constant 0 : i32
      %eq3A_351 = arith.cmpi eq, %jit3A_349, %eq3A_350 : i32
      %jit3A_352 = arith.constant 1 : i32
      %select_n3A_353 = arith.select %eq3A_351, %jit3A_352, %jit3A_349 : i32
      %rem3A_354 = arith.remsi %sub3A_285, %select_n3A_353 : i32
      %ne3A_355 = arith.constant 0 : i32
      %ne3A_356 = arith.cmpi ne, %rem3A_354, %ne3A_355 : i32
      %lt3A_357 = arith.constant 0 : i32
      %lt3A_358 = arith.cmpi slt, %rem3A_354, %lt3A_357 : i32
      %lt3A_359 = arith.constant 0 : i32
      %lt3A_360 = arith.cmpi slt, %select_n3A_353, %lt3A_359 : i32
      %ne3A_361 = arith.xori %lt3A_358, %lt3A_360 : i1
      %and3A_362 = arith.andi %ne3A_361, %ne3A_356 : i1
      %add3A_363 = arith.addi %rem3A_354, %select_n3A_353 : i32
      %select_n3A_364 = arith.select %and3A_362, %add3A_363, %rem3A_354 : i32
      %mul3A_365 = arith.constant 200 : i32
      %mul3A_366 = arith.muli %select_n3A_364, %mul3A_365 : i32
      %iota3A_367 = tpu.iota {dimensions = array<i32: 0>} : vector<16xi32>
      %broadcast_in_dim3A_368 = vector.broadcast %select_n3A_348 : i32 to vector<16xi32>
      %add3A_369 = arith.constant 0 : i32
      %add3A_370 = vector.broadcast %add3A_369 : i32 to vector<16xi32>
      %add3A_371 = arith.addi %add3A_370, %iota3A_367 : vector<16xi32>
      %gather3A_372 = tpu.vector_load_idx %arg4[%broadcast_in_dim3A_368, %add3A_371] : memref<26x128xi32, #tpu.memory_space<vmem>>[vector<16xi32>, vector<16xi32>], vector<16xi32>,
      %sub3A_373 = vector.broadcast %mul3A_366 : i32 to vector<16xi32>
      %sub3A_374 = arith.subi %gather3A_372, %sub3A_373 : vector<16xi32>
      %ge3A_375 = arith.constant 0 : i32
      %ge3A_376 = vector.broadcast %ge3A_375 : i32 to vector<16xi32>
      %ge3A_377 = arith.cmpi sge, %sub3A_374, %ge3A_376 : vector<16xi32>
      %lt3A_378 = arith.constant 200 : i32
      %lt3A_379 = vector.broadcast %lt3A_378 : i32 to vector<16xi32>
      %lt3A_380 = arith.cmpi slt, %sub3A_374, %lt3A_379 : vector<16xi32>
      %and3A_381 = arith.andi %ge3A_377, %lt3A_380 : vector<16xi1>
      tpu.vector_store_idx %arg5[%sub3A_374, %add3A_371], %broadcast_in_dim3A_7 masked %and3A_381 : memref<200x128xf32, #tpu.memory_space<vmem>>[vector<16xi32>, vector<16xi32>], vector<16xf32>, vector<16xi1>
      %add3A_382 = arith.constant 16 : i32
      %add3A_383 = vector.broadcast %add3A_382 : i32 to vector<16xi32>
      %add3A_384 = arith.addi %add3A_383, %iota3A_367 : vector<16xi32>
      %gather3A_385 = tpu.vector_load_idx %arg4[%broadcast_in_dim3A_368, %add3A_384] : memref<26x128xi32, #tpu.memory_space<vmem>>[vector<16xi32>, vector<16xi32>], vector<16xi32>,
      %sub3A_386 = vector.broadcast %mul3A_366 : i32 to vector<16xi32>
      %sub3A_387 = arith.subi %gather3A_385, %sub3A_386 : vector<16xi32>
      %ge3A_388 = arith.constant 0 : i32
      %ge3A_389 = vector.broadcast %ge3A_388 : i32 to vector<16xi32>
      %ge3A_390 = arith.cmpi sge, %sub3A_387, %ge3A_389 : vector<16xi32>
      %lt3A_391 = arith.constant 200 : i32
      %lt3A_392 = vector.broadcast %lt3A_391 : i32 to vector<16xi32>
      %lt3A_393 = arith.cmpi slt, %sub3A_387, %lt3A_392 : vector<16xi32>
      %and3A_394 = arith.andi %ge3A_390, %lt3A_393 : vector<16xi1>
      tpu.vector_store_idx %arg5[%sub3A_387, %add3A_384], %broadcast_in_dim3A_7 masked %and3A_394 : memref<200x128xf32, #tpu.memory_space<vmem>>[vector<16xi32>, vector<16xi32>], vector<16xf32>, vector<16xi1>
      %add3A_395 = arith.constant 32 : i32
      %add3A_396 = vector.broadcast %add3A_395 : i32 to vector<16xi32>
      %add3A_397 = arith.addi %add3A_396, %iota3A_367 : vector<16xi32>
      %gather3A_398 = tpu.vector_load_idx %arg4[%broadcast_in_dim3A_368, %add3A_397] : memref<26x128xi32, #tpu.memory_space<vmem>>[vector<16xi32>, vector<16xi32>], vector<16xi32>,
      %sub3A_399 = vector.broadcast %mul3A_366 : i32 to vector<16xi32>
      %sub3A_400 = arith.subi %gather3A_398, %sub3A_399 : vector<16xi32>
      %ge3A_401 = arith.constant 0 : i32
      %ge3A_402 = vector.broadcast %ge3A_401 : i32 to vector<16xi32>
      %ge3A_403 = arith.cmpi sge, %sub3A_400, %ge3A_402 : vector<16xi32>
      %lt3A_404 = arith.constant 200 : i32
      %lt3A_405 = vector.broadcast %lt3A_404 : i32 to vector<16xi32>
      %lt3A_406 = arith.cmpi slt, %sub3A_400, %lt3A_405 : vector<16xi32>
      %and3A_407 = arith.andi %ge3A_403, %lt3A_406 : vector<16xi1>
      tpu.vector_store_idx %arg5[%sub3A_400, %add3A_397], %broadcast_in_dim3A_7 masked %and3A_407 : memref<200x128xf32, #tpu.memory_space<vmem>>[vector<16xi32>, vector<16xi32>], vector<16xf32>, vector<16xi1>
      %add3A_408 = arith.constant 48 : i32
      %add3A_409 = vector.broadcast %add3A_408 : i32 to vector<16xi32>
      %add3A_410 = arith.addi %add3A_409, %iota3A_367 : vector<16xi32>
      %gather3A_411 = tpu.vector_load_idx %arg4[%broadcast_in_dim3A_368, %add3A_410] : memref<26x128xi32, #tpu.memory_space<vmem>>[vector<16xi32>, vector<16xi32>], vector<16xi32>,
      %sub3A_412 = vector.broadcast %mul3A_366 : i32 to vector<16xi32>
      %sub3A_413 = arith.subi %gather3A_411, %sub3A_412 : vector<16xi32>
      %ge3A_414 = arith.constant 0 : i32
      %ge3A_415 = vector.broadcast %ge3A_414 : i32 to vector<16xi32>
      %ge3A_416 = arith.cmpi sge, %sub3A_413, %ge3A_415 : vector<16xi32>
      %lt3A_417 = arith.constant 200 : i32
      %lt3A_418 = vector.broadcast %lt3A_417 : i32 to vector<16xi32>
      %lt3A_419 = arith.cmpi slt, %sub3A_413, %lt3A_418 : vector<16xi32>
      %and3A_420 = arith.andi %ge3A_416, %lt3A_419 : vector<16xi1>
      tpu.vector_store_idx %arg5[%sub3A_413, %add3A_410], %broadcast_in_dim3A_7 masked %and3A_420 : memref<200x128xf32, #tpu.memory_space<vmem>>[vector<16xi32>, vector<16xi32>], vector<16xf32>, vector<16xi1>
      %add3A_421 = arith.constant 64 : i32
      %add3A_422 = vector.broadcast %add3A_421 : i32 to vector<16xi32>
      %add3A_423 = arith.addi %add3A_422, %iota3A_367 : vector<16xi32>
      %gather3A_424 = tpu.vector_load_idx %arg4[%broadcast_in_dim3A_368, %add3A_423] : memref<26x128xi32, #tpu.memory_space<vmem>>[vector<16xi32>, vector<16xi32>], vector<16xi32>,
      %sub3A_425 = vector.broadcast %mul3A_366 : i32 to vector<16xi32>
      %sub3A_426 = arith.subi %gather3A_424, %sub3A_425 : vector<16xi32>
      %ge3A_427 = arith.constant 0 : i32
      %ge3A_428 = vector.broadcast %ge3A_427 : i32 to vector<16xi32>
      %ge3A_429 = arith.cmpi sge, %sub3A_426, %ge3A_428 : vector<16xi32>
      %lt3A_430 = arith.constant 200 : i32
      %lt3A_431 = vector.broadcast %lt3A_430 : i32 to vector<16xi32>
      %lt3A_432 = arith.cmpi slt, %sub3A_426, %lt3A_431 : vector<16xi32>
      %and3A_433 = arith.andi %ge3A_429, %lt3A_432 : vector<16xi1>
      tpu.vector_store_idx %arg5[%sub3A_426, %add3A_423], %broadcast_in_dim3A_7 masked %and3A_433 : memref<200x128xf32, #tpu.memory_space<vmem>>[vector<16xi32>, vector<16xi32>], vector<16xf32>, vector<16xi1>
      %add3A_434 = arith.constant 80 : i32
      %add3A_435 = vector.broadcast %add3A_434 : i32 to vector<16xi32>
      %add3A_436 = arith.addi %add3A_435, %iota3A_367 : vector<16xi32>
      %gather3A_437 = tpu.vector_load_idx %arg4[%broadcast_in_dim3A_368, %add3A_436] : memref<26x128xi32, #tpu.memory_space<vmem>>[vector<16xi32>, vector<16xi32>], vector<16xi32>,
      %sub3A_438 = vector.broadcast %mul3A_366 : i32 to vector<16xi32>
      %sub3A_439 = arith.subi %gather3A_437, %sub3A_438 : vector<16xi32>
      %ge3A_440 = arith.constant 0 : i32
      %ge3A_441 = vector.broadcast %ge3A_440 : i32 to vector<16xi32>
      %ge3A_442 = arith.cmpi sge, %sub3A_439, %ge3A_441 : vector<16xi32>
      %lt3A_443 = arith.constant 200 : i32
      %lt3A_444 = vector.broadcast %lt3A_443 : i32 to vector<16xi32>
      %lt3A_445 = arith.cmpi slt, %sub3A_439, %lt3A_444 : vector<16xi32>
      %and3A_446 = arith.andi %ge3A_442, %lt3A_445 : vector<16xi1>
      tpu.vector_store_idx %arg5[%sub3A_439, %add3A_436], %broadcast_in_dim3A_7 masked %and3A_446 : memref<200x128xf32, #tpu.memory_space<vmem>>[vector<16xi32>, vector<16xi32>], vector<16xf32>, vector<16xi1>
      %add3A_447 = arith.constant 96 : i32
      %add3A_448 = vector.broadcast %add3A_447 : i32 to vector<16xi32>
      %add3A_449 = arith.addi %add3A_448, %iota3A_367 : vector<16xi32>
      %gather3A_450 = tpu.vector_load_idx %arg4[%broadcast_in_dim3A_368, %add3A_449] : memref<26x128xi32, #tpu.memory_space<vmem>>[vector<16xi32>, vector<16xi32>], vector<16xi32>,
      %sub3A_451 = vector.broadcast %mul3A_366 : i32 to vector<16xi32>
      %sub3A_452 = arith.subi %gather3A_450, %sub3A_451 : vector<16xi32>
      %ge3A_453 = arith.constant 0 : i32
      %ge3A_454 = vector.broadcast %ge3A_453 : i32 to vector<16xi32>
      %ge3A_455 = arith.cmpi sge, %sub3A_452, %ge3A_454 : vector<16xi32>
      %lt3A_456 = arith.constant 200 : i32
      %lt3A_457 = vector.broadcast %lt3A_456 : i32 to vector<16xi32>
      %lt3A_458 = arith.cmpi slt, %sub3A_452, %lt3A_457 : vector<16xi32>
      %and3A_459 = arith.andi %ge3A_455, %lt3A_458 : vector<16xi1>
      tpu.vector_store_idx %arg5[%sub3A_452, %add3A_449], %broadcast_in_dim3A_7 masked %and3A_459 : memref<200x128xf32, #tpu.memory_space<vmem>>[vector<16xi32>, vector<16xi32>], vector<16xf32>, vector<16xi1>
      %add3A_460 = arith.constant 112 : i32
      %add3A_461 = vector.broadcast %add3A_460 : i32 to vector<16xi32>
      %add3A_462 = arith.addi %add3A_461, %iota3A_367 : vector<16xi32>
      %gather3A_463 = tpu.vector_load_idx %arg4[%broadcast_in_dim3A_368, %add3A_462] : memref<26x128xi32, #tpu.memory_space<vmem>>[vector<16xi32>, vector<16xi32>], vector<16xi32>,
      %sub3A_464 = vector.broadcast %mul3A_366 : i32 to vector<16xi32>
      %sub3A_465 = arith.subi %gather3A_463, %sub3A_464 : vector<16xi32>
      %ge3A_466 = arith.constant 0 : i32
      %ge3A_467 = vector.broadcast %ge3A_466 : i32 to vector<16xi32>
      %ge3A_468 = arith.cmpi sge, %sub3A_465, %ge3A_467 : vector<16xi32>
      %lt3A_469 = arith.constant 200 : i32
      %lt3A_470 = vector.broadcast %lt3A_469 : i32 to vector<16xi32>
      %lt3A_471 = arith.cmpi slt, %sub3A_465, %lt3A_470 : vector<16xi32>
      %and3A_472 = arith.andi %ge3A_468, %lt3A_471 : vector<16xi1>
      tpu.vector_store_idx %arg5[%sub3A_465, %add3A_462], %broadcast_in_dim3A_7 masked %and3A_472 : memref<200x128xf32, #tpu.memory_space<vmem>>[vector<16xi32>, vector<16xi32>], vector<16xf32>, vector<16xi1>
      %jit3A_473 = arith.constant 5 : i32
      %div3A_474 = arith.divsi %add3A_283, %jit3A_473 : i32
      %sign3A_475 = arith.constant 0 : i32
      %sign3A_476 = arith.cmpi sgt, %add3A_283, %sign3A_475 : i32
      %sign3A_477 = arith.extui %sign3A_476 : i1 to i32
      %sign3A_478 = arith.constant 0 : i32
      %sign3A_479 = arith.cmpi slt, %add3A_283, %sign3A_478 : i32
      %sign3A_480 = arith.extui %sign3A_479 : i1 to i32
      %sign3A_481 = arith.subi %sign3A_477, %sign3A_480 : i32
      %sign3A_482 = arith.constant 0 : i32
      %sign3A_483 = arith.cmpi sgt, %jit3A_473, %sign3A_482 : i32
      %sign3A_484 = arith.extui %sign3A_483 : i1 to i32
      %sign3A_485 = arith.constant 0 : i32
      %sign3A_486 = arith.cmpi slt, %jit3A_473, %sign3A_485 : i32
      %sign3A_487 = arith.extui %sign3A_486 : i1 to i32
      %sign3A_488 = arith.subi %sign3A_484, %sign3A_487 : i32
      %ne3A_489 = arith.cmpi ne, %sign3A_481, %sign3A_488 : i32
      %rem3A_490 = arith.remsi %add3A_283, %jit3A_473 : i32
      %ne3A_491 = arith.constant 0 : i32
      %ne3A_492 = arith.cmpi ne, %rem3A_490, %ne3A_491 : i32
      %and3A_493 = arith.andi %ne3A_489, %ne3A_492 : i1
      %sub3A_494 = arith.constant 1 : i32
      %sub3A_495 = arith.subi %div3A_474, %sub3A_494 : i32
      %select_n3A_496 = arith.select %and3A_493, %sub3A_495, %div3A_474 : i32
      %jit3A_497 = arith.constant 5 : i32
      %eq3A_498 = arith.constant 0 : i32
      %eq3A_499 = arith.cmpi eq, %jit3A_497, %eq3A_498 : i32
      %jit3A_500 = arith.constant 1 : i32
      %select_n3A_501 = arith.select %eq3A_499, %jit3A_500, %jit3A_497 : i32
      %rem3A_502 = arith.remsi %add3A_283, %select_n3A_501 : i32
      %ne3A_503 = arith.constant 0 : i32
      %ne3A_504 = arith.cmpi ne, %rem3A_502, %ne3A_503 : i32
      %lt3A_505 = arith.constant 0 : i32
      %lt3A_506 = arith.cmpi slt, %rem3A_502, %lt3A_505 : i32
      %lt3A_507 = arith.constant 0 : i32
      %lt3A_508 = arith.cmpi slt, %select_n3A_501, %lt3A_507 : i32
      %ne3A_509 = arith.xori %lt3A_506, %lt3A_508 : i1
      %and3A_510 = arith.andi %ne3A_509, %ne3A_504 : i1
      %add3A_511 = arith.addi %rem3A_502, %select_n3A_501 : i32
      %select_n3A_512 = arith.select %and3A_510, %add3A_511, %rem3A_502 : i32
      %mul3A_513 = arith.constant 200 : i32
      %mul3A_514 = arith.muli %select_n3A_512, %mul3A_513 : i32
      %iota3A_515 = tpu.iota {dimensions = array<i32: 0>} : vector<16xi32>
      %broadcast_in_dim3A_516 = vector.broadcast %select_n3A_496 : i32 to vector<16xi32>
      %add3A_517 = arith.constant 0 : i32
      %add3A_518 = vector.broadcast %add3A_517 : i32 to vector<16xi32>
      %add3A_519 = arith.addi %add3A_518, %iota3A_515 : vector<16xi32>
      %gather3A_520 = tpu.vector_load_idx %arg4[%broadcast_in_dim3A_516, %add3A_519] : memref<26x128xi32, #tpu.memory_space<vmem>>[vector<16xi32>, vector<16xi32>], vector<16xi32>,
      %sub3A_521 = vector.broadcast %mul3A_514 : i32 to vector<16xi32>
      %sub3A_522 = arith.subi %gather3A_520, %sub3A_521 : vector<16xi32>
      %ge3A_523 = arith.constant 0 : i32
      %ge3A_524 = vector.broadcast %ge3A_523 : i32 to vector<16xi32>
      %ge3A_525 = arith.cmpi sge, %sub3A_522, %ge3A_524 : vector<16xi32>
      %lt3A_526 = arith.constant 200 : i32
      %lt3A_527 = vector.broadcast %lt3A_526 : i32 to vector<16xi32>
      %lt3A_528 = arith.cmpi slt, %sub3A_522, %lt3A_527 : vector<16xi32>
      %and3A_529 = arith.andi %ge3A_525, %lt3A_528 : vector<16xi1>
      tpu.vector_store_idx %arg5[%sub3A_522, %add3A_519], %broadcast_in_dim3A_5 masked %and3A_529 : memref<200x128xf32, #tpu.memory_space<vmem>>[vector<16xi32>, vector<16xi32>], vector<16xf32>, vector<16xi1>
      %add3A_530 = arith.constant 16 : i32
      %add3A_531 = vector.broadcast %add3A_530 : i32 to vector<16xi32>
      %add3A_532 = arith.addi %add3A_531, %iota3A_515 : vector<16xi32>
      %gather3A_533 = tpu.vector_load_idx %arg4[%broadcast_in_dim3A_516, %add3A_532] : memref<26x128xi32, #tpu.memory_space<vmem>>[vector<16xi32>, vector<16xi32>], vector<16xi32>,
      %sub3A_534 = vector.broadcast %mul3A_514 : i32 to vector<16xi32>
      %sub3A_535 = arith.subi %gather3A_533, %sub3A_534 : vector<16xi32>
      %ge3A_536 = arith.constant 0 : i32
      %ge3A_537 = vector.broadcast %ge3A_536 : i32 to vector<16xi32>
      %ge3A_538 = arith.cmpi sge, %sub3A_535, %ge3A_537 : vector<16xi32>
      %lt3A_539 = arith.constant 200 : i32
      %lt3A_540 = vector.broadcast %lt3A_539 : i32 to vector<16xi32>
      %lt3A_541 = arith.cmpi slt, %sub3A_535, %lt3A_540 : vector<16xi32>
      %and3A_542 = arith.andi %ge3A_538, %lt3A_541 : vector<16xi1>
      tpu.vector_store_idx %arg5[%sub3A_535, %add3A_532], %broadcast_in_dim3A_5 masked %and3A_542 : memref<200x128xf32, #tpu.memory_space<vmem>>[vector<16xi32>, vector<16xi32>], vector<16xf32>, vector<16xi1>
      %add3A_543 = arith.constant 32 : i32
      %add3A_544 = vector.broadcast %add3A_543 : i32 to vector<16xi32>
      %add3A_545 = arith.addi %add3A_544, %iota3A_515 : vector<16xi32>
      %gather3A_546 = tpu.vector_load_idx %arg4[%broadcast_in_dim3A_516, %add3A_545] : memref<26x128xi32, #tpu.memory_space<vmem>>[vector<16xi32>, vector<16xi32>], vector<16xi32>,
      %sub3A_547 = vector.broadcast %mul3A_514 : i32 to vector<16xi32>
      %sub3A_548 = arith.subi %gather3A_546, %sub3A_547 : vector<16xi32>
      %ge3A_549 = arith.constant 0 : i32
      %ge3A_550 = vector.broadcast %ge3A_549 : i32 to vector<16xi32>
      %ge3A_551 = arith.cmpi sge, %sub3A_548, %ge3A_550 : vector<16xi32>
      %lt3A_552 = arith.constant 200 : i32
      %lt3A_553 = vector.broadcast %lt3A_552 : i32 to vector<16xi32>
      %lt3A_554 = arith.cmpi slt, %sub3A_548, %lt3A_553 : vector<16xi32>
      %and3A_555 = arith.andi %ge3A_551, %lt3A_554 : vector<16xi1>
      tpu.vector_store_idx %arg5[%sub3A_548, %add3A_545], %broadcast_in_dim3A_5 masked %and3A_555 : memref<200x128xf32, #tpu.memory_space<vmem>>[vector<16xi32>, vector<16xi32>], vector<16xf32>, vector<16xi1>
      %add3A_556 = arith.constant 48 : i32
      %add3A_557 = vector.broadcast %add3A_556 : i32 to vector<16xi32>
      %add3A_558 = arith.addi %add3A_557, %iota3A_515 : vector<16xi32>
      %gather3A_559 = tpu.vector_load_idx %arg4[%broadcast_in_dim3A_516, %add3A_558] : memref<26x128xi32, #tpu.memory_space<vmem>>[vector<16xi32>, vector<16xi32>], vector<16xi32>,
      %sub3A_560 = vector.broadcast %mul3A_514 : i32 to vector<16xi32>
      %sub3A_561 = arith.subi %gather3A_559, %sub3A_560 : vector<16xi32>
      %ge3A_562 = arith.constant 0 : i32
      %ge3A_563 = vector.broadcast %ge3A_562 : i32 to vector<16xi32>
      %ge3A_564 = arith.cmpi sge, %sub3A_561, %ge3A_563 : vector<16xi32>
      %lt3A_565 = arith.constant 200 : i32
      %lt3A_566 = vector.broadcast %lt3A_565 : i32 to vector<16xi32>
      %lt3A_567 = arith.cmpi slt, %sub3A_561, %lt3A_566 : vector<16xi32>
      %and3A_568 = arith.andi %ge3A_564, %lt3A_567 : vector<16xi1>
      tpu.vector_store_idx %arg5[%sub3A_561, %add3A_558], %broadcast_in_dim3A_5 masked %and3A_568 : memref<200x128xf32, #tpu.memory_space<vmem>>[vector<16xi32>, vector<16xi32>], vector<16xf32>, vector<16xi1>
      %add3A_569 = arith.constant 64 : i32
      %add3A_570 = vector.broadcast %add3A_569 : i32 to vector<16xi32>
      %add3A_571 = arith.addi %add3A_570, %iota3A_515 : vector<16xi32>
      %gather3A_572 = tpu.vector_load_idx %arg4[%broadcast_in_dim3A_516, %add3A_571] : memref<26x128xi32, #tpu.memory_space<vmem>>[vector<16xi32>, vector<16xi32>], vector<16xi32>,
      %sub3A_573 = vector.broadcast %mul3A_514 : i32 to vector<16xi32>
      %sub3A_574 = arith.subi %gather3A_572, %sub3A_573 : vector<16xi32>
      %ge3A_575 = arith.constant 0 : i32
      %ge3A_576 = vector.broadcast %ge3A_575 : i32 to vector<16xi32>
      %ge3A_577 = arith.cmpi sge, %sub3A_574, %ge3A_576 : vector<16xi32>
      %lt3A_578 = arith.constant 200 : i32
      %lt3A_579 = vector.broadcast %lt3A_578 : i32 to vector<16xi32>
      %lt3A_580 = arith.cmpi slt, %sub3A_574, %lt3A_579 : vector<16xi32>
      %and3A_581 = arith.andi %ge3A_577, %lt3A_580 : vector<16xi1>
      tpu.vector_store_idx %arg5[%sub3A_574, %add3A_571], %broadcast_in_dim3A_5 masked %and3A_581 : memref<200x128xf32, #tpu.memory_space<vmem>>[vector<16xi32>, vector<16xi32>], vector<16xf32>, vector<16xi1>
      %add3A_582 = arith.constant 80 : i32
      %add3A_583 = vector.broadcast %add3A_582 : i32 to vector<16xi32>
      %add3A_584 = arith.addi %add3A_583, %iota3A_515 : vector<16xi32>
      %gather3A_585 = tpu.vector_load_idx %arg4[%broadcast_in_dim3A_516, %add3A_584] : memref<26x128xi32, #tpu.memory_space<vmem>>[vector<16xi32>, vector<16xi32>], vector<16xi32>,
      %sub3A_586 = vector.broadcast %mul3A_514 : i32 to vector<16xi32>
      %sub3A_587 = arith.subi %gather3A_585, %sub3A_586 : vector<16xi32>
      %ge3A_588 = arith.constant 0 : i32
      %ge3A_589 = vector.broadcast %ge3A_588 : i32 to vector<16xi32>
      %ge3A_590 = arith.cmpi sge, %sub3A_587, %ge3A_589 : vector<16xi32>
      %lt3A_591 = arith.constant 200 : i32
      %lt3A_592 = vector.broadcast %lt3A_591 : i32 to vector<16xi32>
      %lt3A_593 = arith.cmpi slt, %sub3A_587, %lt3A_592 : vector<16xi32>
      %and3A_594 = arith.andi %ge3A_590, %lt3A_593 : vector<16xi1>
      tpu.vector_store_idx %arg5[%sub3A_587, %add3A_584], %broadcast_in_dim3A_5 masked %and3A_594 : memref<200x128xf32, #tpu.memory_space<vmem>>[vector<16xi32>, vector<16xi32>], vector<16xf32>, vector<16xi1>
      %add3A_595 = arith.constant 96 : i32
      %add3A_596 = vector.broadcast %add3A_595 : i32 to vector<16xi32>
      %add3A_597 = arith.addi %add3A_596, %iota3A_515 : vector<16xi32>
      %gather3A_598 = tpu.vector_load_idx %arg4[%broadcast_in_dim3A_516, %add3A_597] : memref<26x128xi32, #tpu.memory_space<vmem>>[vector<16xi32>, vector<16xi32>], vector<16xi32>,
      %sub3A_599 = vector.broadcast %mul3A_514 : i32 to vector<16xi32>
      %sub3A_600 = arith.subi %gather3A_598, %sub3A_599 : vector<16xi32>
      %ge3A_601 = arith.constant 0 : i32
      %ge3A_602 = vector.broadcast %ge3A_601 : i32 to vector<16xi32>
      %ge3A_603 = arith.cmpi sge, %sub3A_600, %ge3A_602 : vector<16xi32>
      %lt3A_604 = arith.constant 200 : i32
      %lt3A_605 = vector.broadcast %lt3A_604 : i32 to vector<16xi32>
      %lt3A_606 = arith.cmpi slt, %sub3A_600, %lt3A_605 : vector<16xi32>
      %and3A_607 = arith.andi %ge3A_603, %lt3A_606 : vector<16xi1>
      tpu.vector_store_idx %arg5[%sub3A_600, %add3A_597], %broadcast_in_dim3A_5 masked %and3A_607 : memref<200x128xf32, #tpu.memory_space<vmem>>[vector<16xi32>, vector<16xi32>], vector<16xf32>, vector<16xi1>
      %add3A_608 = arith.constant 112 : i32
      %add3A_609 = vector.broadcast %add3A_608 : i32 to vector<16xi32>
      %add3A_610 = arith.addi %add3A_609, %iota3A_515 : vector<16xi32>
      %gather3A_611 = tpu.vector_load_idx %arg4[%broadcast_in_dim3A_516, %add3A_610] : memref<26x128xi32, #tpu.memory_space<vmem>>[vector<16xi32>, vector<16xi32>], vector<16xi32>,
      %sub3A_612 = vector.broadcast %mul3A_514 : i32 to vector<16xi32>
      %sub3A_613 = arith.subi %gather3A_611, %sub3A_612 : vector<16xi32>
      %ge3A_614 = arith.constant 0 : i32
      %ge3A_615 = vector.broadcast %ge3A_614 : i32 to vector<16xi32>
      %ge3A_616 = arith.cmpi sge, %sub3A_613, %ge3A_615 : vector<16xi32>
      %lt3A_617 = arith.constant 200 : i32
      %lt3A_618 = vector.broadcast %lt3A_617 : i32 to vector<16xi32>
      %lt3A_619 = arith.cmpi slt, %sub3A_613, %lt3A_618 : vector<16xi32>
      %and3A_620 = arith.andi %ge3A_616, %lt3A_619 : vector<16xi1>
      tpu.vector_store_idx %arg5[%sub3A_613, %add3A_610], %broadcast_in_dim3A_5 masked %and3A_620 : memref<200x128xf32, #tpu.memory_space<vmem>>[vector<16xi32>, vector<16xi32>], vector<16xf32>, vector<16xi1>
      %jit3A_621 = arith.constant 5 : i32
      %div3A_622 = arith.divsi %add3A_283, %jit3A_621 : i32
      %sign3A_623 = arith.constant 0 : i32
      %sign3A_624 = arith.cmpi sgt, %add3A_283, %sign3A_623 : i32
      %sign3A_625 = arith.extui %sign3A_624 : i1 to i32
      %sign3A_626 = arith.constant 0 : i32
      %sign3A_627 = arith.cmpi slt, %add3A_283, %sign3A_626 : i32
      %sign3A_628 = arith.extui %sign3A_627 : i1 to i32
      %sign3A_629 = arith.subi %sign3A_625, %sign3A_628 : i32
      %sign3A_630 = arith.constant 0 : i32
      %sign3A_631 = arith.cmpi sgt, %jit3A_621, %sign3A_630 : i32
      %sign3A_632 = arith.extui %sign3A_631 : i1 to i32
      %sign3A_633 = arith.constant 0 : i32
      %sign3A_634 = arith.cmpi slt, %jit3A_621, %sign3A_633 : i32
      %sign3A_635 = arith.extui %sign3A_634 : i1 to i32
      %sign3A_636 = arith.subi %sign3A_632, %sign3A_635 : i32
      %ne3A_637 = arith.cmpi ne, %sign3A_629, %sign3A_636 : i32
      %rem3A_638 = arith.remsi %add3A_283, %jit3A_621 : i32
      %ne3A_639 = arith.constant 0 : i32
      %ne3A_640 = arith.cmpi ne, %rem3A_638, %ne3A_639 : i32
      %and3A_641 = arith.andi %ne3A_637, %ne3A_640 : i1
      %sub3A_642 = arith.constant 1 : i32
      %sub3A_643 = arith.subi %div3A_622, %sub3A_642 : i32
      %select_n3A_644 = arith.select %and3A_641, %sub3A_643, %div3A_622 : i32
      %jit3A_645 = arith.constant 5 : i32
      %eq3A_646 = arith.constant 0 : i32
      %eq3A_647 = arith.cmpi eq, %jit3A_645, %eq3A_646 : i32
      %jit3A_648 = arith.constant 1 : i32
      %select_n3A_649 = arith.select %eq3A_647, %jit3A_648, %jit3A_645 : i32
      %rem3A_650 = arith.remsi %add3A_283, %select_n3A_649 : i32
      %ne3A_651 = arith.constant 0 : i32
      %ne3A_652 = arith.cmpi ne, %rem3A_650, %ne3A_651 : i32
      %lt3A_653 = arith.constant 0 : i32
      %lt3A_654 = arith.cmpi slt, %rem3A_650, %lt3A_653 : i32
      %lt3A_655 = arith.constant 0 : i32
      %lt3A_656 = arith.cmpi slt, %select_n3A_649, %lt3A_655 : i32
      %ne3A_657 = arith.xori %lt3A_654, %lt3A_656 : i1
      %and3A_658 = arith.andi %ne3A_657, %ne3A_652 : i1
      %add3A_659 = arith.addi %rem3A_650, %select_n3A_649 : i32
      %select_n3A_660 = arith.select %and3A_658, %add3A_659, %rem3A_650 : i32
      %mul3A_661 = arith.constant 200 : i32
      %mul3A_662 = arith.muli %select_n3A_660, %mul3A_661 : i32
      %dma_start3A_663 = tpu.memref_slice %arg3[%select_n3A_644, %mul3A_662, %mul3A_2] : memref<26x1000x4096xf32, #tpu.memory_space<hbm>> -> memref<1x200x128xf32, #tpu.memory_space<hbm>>
      %dma_start3A_664 = tpu.memref_squeeze %dma_start3A_663 : memref<1x200x128xf32, #tpu.memory_space<hbm>> -> memref<200x128xf32, #tpu.memory_space<hbm>>
      %dma_start3A_665 = tpu.memref_slice %arg3[%select_n3A_644, %mul3A_662, %mul3A_2] : memref<26x1000x4096xf32, #tpu.memory_space<hbm>> -> memref<1x200x128xf32, #tpu.memory_space<hbm>>
      %dma_start3A_666 = tpu.memref_squeeze %dma_start3A_665 : memref<1x200x128xf32, #tpu.memory_space<hbm>> -> memref<200x128xf32, #tpu.memory_space<hbm>>
      tpu.enqueue_dma source(%arg5 : memref<200x128xf32, #tpu.memory_space<vmem>>) target(%dma_start3A_666 : memref<200x128xf32, #tpu.memory_space<hbm>>) target_semaphore(%arg7 : memref<!tpu.dma_semaphore, #tpu.memory_space<semaphore_mem>>)
      %mul3A_667 = arith.constant 2 : i32
      %mul3A_668 = arith.muli %scan3A_278, %mul3A_667 : i32
      %add3A_669 = arith.constant 1 : i32
      %add3A_670 = arith.addi %mul3A_668, %add3A_669 : i32
      %sub3A_671 = arith.constant 2 : i32
      %sub3A_672 = arith.subi %add3A_670, %sub3A_671 : i32
      %jit3A_673 = arith.constant 5 : i32
      %div3A_674 = arith.divsi %sub3A_672, %jit3A_673 : i32
      %sign3A_675 = arith.constant 0 : i32
      %sign3A_676 = arith.cmpi sgt, %sub3A_672, %sign3A_675 : i32
      %sign3A_677 = arith.extui %sign3A_676 : i1 to i32
      %sign3A_678 = arith.constant 0 : i32
      %sign3A_679 = arith.cmpi slt, %sub3A_672, %sign3A_678 : i32
      %sign3A_680 = arith.extui %sign3A_679 : i1 to i32
      %sign3A_681 = arith.subi %sign3A_677, %sign3A_680 : i32
      %sign3A_682 = arith.constant 0 : i32
      %sign3A_683 = arith.cmpi sgt, %jit3A_673, %sign3A_682 : i32
      %sign3A_684 = arith.extui %sign3A_683 : i1 to i32
      %sign3A_685 = arith.constant 0 : i32
      %sign3A_686 = arith.cmpi slt, %jit3A_673, %sign3A_685 : i32
      %sign3A_687 = arith.extui %sign3A_686 : i1 to i32
      %sign3A_688 = arith.subi %sign3A_684, %sign3A_687 : i32
      %ne3A_689 = arith.cmpi ne, %sign3A_681, %sign3A_688 : i32
      %rem3A_690 = arith.remsi %sub3A_672, %jit3A_673 : i32
      %ne3A_691 = arith.constant 0 : i32
      %ne3A_692 = arith.cmpi ne, %rem3A_690, %ne3A_691 : i32
      %and3A_693 = arith.andi %ne3A_689, %ne3A_692 : i1
      %sub3A_694 = arith.constant 1 : i32
      %sub3A_695 = arith.subi %div3A_674, %sub3A_694 : i32
      %select_n3A_696 = arith.select %and3A_693, %sub3A_695, %div3A_674 : i32
      %jit3A_697 = arith.constant 5 : i32
      %eq3A_698 = arith.constant 0 : i32
      %eq3A_699 = arith.cmpi eq, %jit3A_697, %eq3A_698 : i32
      %jit3A_700 = arith.constant 1 : i32
      %select_n3A_701 = arith.select %eq3A_699, %jit3A_700, %jit3A_697 : i32
      %rem3A_702 = arith.remsi %sub3A_672, %select_n3A_701 : i32
      %ne3A_703 = arith.constant 0 : i32
      %ne3A_704 = arith.cmpi ne, %rem3A_702, %ne3A_703 : i32
      %lt3A_705 = arith.constant 0 : i32
      %lt3A_706 = arith.cmpi slt, %rem3A_702, %lt3A_705 : i32
      %lt3A_707 = arith.constant 0 : i32
      %lt3A_708 = arith.cmpi slt, %select_n3A_701, %lt3A_707 : i32
      %ne3A_709 = arith.xori %lt3A_706, %lt3A_708 : i1
      %and3A_710 = arith.andi %ne3A_709, %ne3A_704 : i1
      %add3A_711 = arith.addi %rem3A_702, %select_n3A_701 : i32
      %select_n3A_712 = arith.select %and3A_710, %add3A_711, %rem3A_702 : i32
      %mul3A_713 = arith.constant 200 : i32
      %mul3A_714 = arith.muli %select_n3A_712, %mul3A_713 : i32
      %dma_wait3A_715 = tpu.memref_slice %arg3[%select_n3A_696, %mul3A_714, %mul3A_2] : memref<26x1000x4096xf32, #tpu.memory_space<hbm>> -> memref<1x200x128xf32, #tpu.memory_space<hbm>>
      %dma_wait3A_716 = tpu.memref_squeeze %dma_wait3A_715 : memref<1x200x128xf32, #tpu.memory_space<hbm>> -> memref<200x128xf32, #tpu.memory_space<hbm>>
      %dma_wait3A_717 = tpu.memref_slice %arg3[%select_n3A_696, %mul3A_714, %mul3A_2] : memref<26x1000x4096xf32, #tpu.memory_space<hbm>> -> memref<1x200x128xf32, #tpu.memory_space<hbm>>
      %dma_wait3A_718 = tpu.memref_squeeze %dma_wait3A_717 : memref<1x200x128xf32, #tpu.memory_space<hbm>> -> memref<200x128xf32, #tpu.memory_space<hbm>>
      tpu.wait_dma2 semaphore(%arg8 : memref<!tpu.dma_semaphore, #tpu.memory_space<semaphore_mem>>) src(%arg6 : memref<200x128xf32, #tpu.memory_space<vmem>>) dst(%dma_wait3A_718 : memref<200x128xf32, #tpu.memory_space<hbm>>)
      %jit3A_719 = arith.constant 5 : i32
      %div3A_720 = arith.divsi %sub3A_672, %jit3A_719 : i32
      %sign3A_721 = arith.constant 0 : i32
      %sign3A_722 = arith.cmpi sgt, %sub3A_672, %sign3A_721 : i32
      %sign3A_723 = arith.extui %sign3A_722 : i1 to i32
      %sign3A_724 = arith.constant 0 : i32
      %sign3A_725 = arith.cmpi slt, %sub3A_672, %sign3A_724 : i32
      %sign3A_726 = arith.extui %sign3A_725 : i1 to i32
      %sign3A_727 = arith.subi %sign3A_723, %sign3A_726 : i32
      %sign3A_728 = arith.constant 0 : i32
      %sign3A_729 = arith.cmpi sgt, %jit3A_719, %sign3A_728 : i32
      %sign3A_730 = arith.extui %sign3A_729 : i1 to i32
      %sign3A_731 = arith.constant 0 : i32
      %sign3A_732 = arith.cmpi slt, %jit3A_719, %sign3A_731 : i32
      %sign3A_733 = arith.extui %sign3A_732 : i1 to i32
      %sign3A_734 = arith.subi %sign3A_730, %sign3A_733 : i32
      %ne3A_735 = arith.cmpi ne, %sign3A_727, %sign3A_734 : i32
      %rem3A_736 = arith.remsi %sub3A_672, %jit3A_719 : i32
      %ne3A_737 = arith.constant 0 : i32
      %ne3A_738 = arith.cmpi ne, %rem3A_736, %ne3A_737 : i32
      %and3A_739 = arith.andi %ne3A_735, %ne3A_738 : i1
      %sub3A_740 = arith.constant 1 : i32
      %sub3A_741 = arith.subi %div3A_720, %sub3A_740 : i32
      %select_n3A_742 = arith.select %and3A_739, %sub3A_741, %div3A_720 : i32
      %jit3A_743 = arith.constant 5 : i32
      %eq3A_744 = arith.constant 0 : i32
      %eq3A_745 = arith.cmpi eq, %jit3A_743, %eq3A_744 : i32
      %jit3A_746 = arith.constant 1 : i32
      %select_n3A_747 = arith.select %eq3A_745, %jit3A_746, %jit3A_743 : i32
      %rem3A_748 = arith.remsi %sub3A_672, %select_n3A_747 : i32
      %ne3A_749 = arith.constant 0 : i32
      %ne3A_750 = arith.cmpi ne, %rem3A_748, %ne3A_749 : i32
      %lt3A_751 = arith.constant 0 : i32
      %lt3A_752 = arith.cmpi slt, %rem3A_748, %lt3A_751 : i32
      %lt3A_753 = arith.constant 0 : i32
      %lt3A_754 = arith.cmpi slt, %select_n3A_747, %lt3A_753 : i32
      %ne3A_755 = arith.xori %lt3A_752, %lt3A_754 : i1
      %and3A_756 = arith.andi %ne3A_755, %ne3A_750 : i1
      %add3A_757 = arith.addi %rem3A_748, %select_n3A_747 : i32
      %select_n3A_758 = arith.select %and3A_756, %add3A_757, %rem3A_748 : i32
      %mul3A_759 = arith.constant 200 : i32
      %mul3A_760 = arith.muli %select_n3A_758, %mul3A_759 : i32
      %iota3A_761 = tpu.iota {dimensions = array<i32: 0>} : vector<16xi32>
      %broadcast_in_dim3A_762 = vector.broadcast %select_n3A_742 : i32 to vector<16xi32>
      %add3A_763 = arith.constant 0 : i32
      %add3A_764 = vector.broadcast %add3A_763 : i32 to vector<16xi32>
      %add3A_765 = arith.addi %add3A_764, %iota3A_761 : vector<16xi32>
      %gather3A_766 = tpu.vector_load_idx %arg4[%broadcast_in_dim3A_762, %add3A_765] : memref<26x128xi32, #tpu.memory_space<vmem>>[vector<16xi32>, vector<16xi32>], vector<16xi32>,
      %sub3A_767 = vector.broadcast %mul3A_760 : i32 to vector<16xi32>
      %sub3A_768 = arith.subi %gather3A_766, %sub3A_767 : vector<16xi32>
      %ge3A_769 = arith.constant 0 : i32
      %ge3A_770 = vector.broadcast %ge3A_769 : i32 to vector<16xi32>
      %ge3A_771 = arith.cmpi sge, %sub3A_768, %ge3A_770 : vector<16xi32>
      %lt3A_772 = arith.constant 200 : i32
      %lt3A_773 = vector.broadcast %lt3A_772 : i32 to vector<16xi32>
      %lt3A_774 = arith.cmpi slt, %sub3A_768, %lt3A_773 : vector<16xi32>
      %and3A_775 = arith.andi %ge3A_771, %lt3A_774 : vector<16xi1>
      tpu.vector_store_idx %arg6[%sub3A_768, %add3A_765], %broadcast_in_dim3A_7 masked %and3A_775 : memref<200x128xf32, #tpu.memory_space<vmem>>[vector<16xi32>, vector<16xi32>], vector<16xf32>, vector<16xi1>
      %add3A_776 = arith.constant 16 : i32
      %add3A_777 = vector.broadcast %add3A_776 : i32 to vector<16xi32>
      %add3A_778 = arith.addi %add3A_777, %iota3A_761 : vector<16xi32>
      %gather3A_779 = tpu.vector_load_idx %arg4[%broadcast_in_dim3A_762, %add3A_778] : memref<26x128xi32, #tpu.memory_space<vmem>>[vector<16xi32>, vector<16xi32>], vector<16xi32>,
      %sub3A_780 = vector.broadcast %mul3A_760 : i32 to vector<16xi32>
      %sub3A_781 = arith.subi %gather3A_779, %sub3A_780 : vector<16xi32>
      %ge3A_782 = arith.constant 0 : i32
      %ge3A_783 = vector.broadcast %ge3A_782 : i32 to vector<16xi32>
      %ge3A_784 = arith.cmpi sge, %sub3A_781, %ge3A_783 : vector<16xi32>
      %lt3A_785 = arith.constant 200 : i32
      %lt3A_786 = vector.broadcast %lt3A_785 : i32 to vector<16xi32>
      %lt3A_787 = arith.cmpi slt, %sub3A_781, %lt3A_786 : vector<16xi32>
      %and3A_788 = arith.andi %ge3A_784, %lt3A_787 : vector<16xi1>
      tpu.vector_store_idx %arg6[%sub3A_781, %add3A_778], %broadcast_in_dim3A_7 masked %and3A_788 : memref<200x128xf32, #tpu.memory_space<vmem>>[vector<16xi32>, vector<16xi32>], vector<16xf32>, vector<16xi1>
      %add3A_789 = arith.constant 32 : i32
      %add3A_790 = vector.broadcast %add3A_789 : i32 to vector<16xi32>
      %add3A_791 = arith.addi %add3A_790, %iota3A_761 : vector<16xi32>
      %gather3A_792 = tpu.vector_load_idx %arg4[%broadcast_in_dim3A_762, %add3A_791] : memref<26x128xi32, #tpu.memory_space<vmem>>[vector<16xi32>, vector<16xi32>], vector<16xi32>,
      %sub3A_793 = vector.broadcast %mul3A_760 : i32 to vector<16xi32>
      %sub3A_794 = arith.subi %gather3A_792, %sub3A_793 : vector<16xi32>
      %ge3A_795 = arith.constant 0 : i32
      %ge3A_796 = vector.broadcast %ge3A_795 : i32 to vector<16xi32>
      %ge3A_797 = arith.cmpi sge, %sub3A_794, %ge3A_796 : vector<16xi32>
      %lt3A_798 = arith.constant 200 : i32
      %lt3A_799 = vector.broadcast %lt3A_798 : i32 to vector<16xi32>
      %lt3A_800 = arith.cmpi slt, %sub3A_794, %lt3A_799 : vector<16xi32>
      %and3A_801 = arith.andi %ge3A_797, %lt3A_800 : vector<16xi1>
      tpu.vector_store_idx %arg6[%sub3A_794, %add3A_791], %broadcast_in_dim3A_7 masked %and3A_801 : memref<200x128xf32, #tpu.memory_space<vmem>>[vector<16xi32>, vector<16xi32>], vector<16xf32>, vector<16xi1>
      %add3A_802 = arith.constant 48 : i32
      %add3A_803 = vector.broadcast %add3A_802 : i32 to vector<16xi32>
      %add3A_804 = arith.addi %add3A_803, %iota3A_761 : vector<16xi32>
      %gather3A_805 = tpu.vector_load_idx %arg4[%broadcast_in_dim3A_762, %add3A_804] : memref<26x128xi32, #tpu.memory_space<vmem>>[vector<16xi32>, vector<16xi32>], vector<16xi32>,
      %sub3A_806 = vector.broadcast %mul3A_760 : i32 to vector<16xi32>
      %sub3A_807 = arith.subi %gather3A_805, %sub3A_806 : vector<16xi32>
      %ge3A_808 = arith.constant 0 : i32
      %ge3A_809 = vector.broadcast %ge3A_808 : i32 to vector<16xi32>
      %ge3A_810 = arith.cmpi sge, %sub3A_807, %ge3A_809 : vector<16xi32>
      %lt3A_811 = arith.constant 200 : i32
      %lt3A_812 = vector.broadcast %lt3A_811 : i32 to vector<16xi32>
      %lt3A_813 = arith.cmpi slt, %sub3A_807, %lt3A_812 : vector<16xi32>
      %and3A_814 = arith.andi %ge3A_810, %lt3A_813 : vector<16xi1>
      tpu.vector_store_idx %arg6[%sub3A_807, %add3A_804], %broadcast_in_dim3A_7 masked %and3A_814 : memref<200x128xf32, #tpu.memory_space<vmem>>[vector<16xi32>, vector<16xi32>], vector<16xf32>, vector<16xi1>
      %add3A_815 = arith.constant 64 : i32
      %add3A_816 = vector.broadcast %add3A_815 : i32 to vector<16xi32>
      %add3A_817 = arith.addi %add3A_816, %iota3A_761 : vector<16xi32>
      %gather3A_818 = tpu.vector_load_idx %arg4[%broadcast_in_dim3A_762, %add3A_817] : memref<26x128xi32, #tpu.memory_space<vmem>>[vector<16xi32>, vector<16xi32>], vector<16xi32>,
      %sub3A_819 = vector.broadcast %mul3A_760 : i32 to vector<16xi32>
      %sub3A_820 = arith.subi %gather3A_818, %sub3A_819 : vector<16xi32>
      %ge3A_821 = arith.constant 0 : i32
      %ge3A_822 = vector.broadcast %ge3A_821 : i32 to vector<16xi32>
      %ge3A_823 = arith.cmpi sge, %sub3A_820, %ge3A_822 : vector<16xi32>
      %lt3A_824 = arith.constant 200 : i32
      %lt3A_825 = vector.broadcast %lt3A_824 : i32 to vector<16xi32>
      %lt3A_826 = arith.cmpi slt, %sub3A_820, %lt3A_825 : vector<16xi32>
      %and3A_827 = arith.andi %ge3A_823, %lt3A_826 : vector<16xi1>
      tpu.vector_store_idx %arg6[%sub3A_820, %add3A_817], %broadcast_in_dim3A_7 masked %and3A_827 : memref<200x128xf32, #tpu.memory_space<vmem>>[vector<16xi32>, vector<16xi32>], vector<16xf32>, vector<16xi1>
      %add3A_828 = arith.constant 80 : i32
      %add3A_829 = vector.broadcast %add3A_828 : i32 to vector<16xi32>
      %add3A_830 = arith.addi %add3A_829, %iota3A_761 : vector<16xi32>
      %gather3A_831 = tpu.vector_load_idx %arg4[%broadcast_in_dim3A_762, %add3A_830] : memref<26x128xi32, #tpu.memory_space<vmem>>[vector<16xi32>, vector<16xi32>], vector<16xi32>,
      %sub3A_832 = vector.broadcast %mul3A_760 : i32 to vector<16xi32>
      %sub3A_833 = arith.subi %gather3A_831, %sub3A_832 : vector<16xi32>
      %ge3A_834 = arith.constant 0 : i32
      %ge3A_835 = vector.broadcast %ge3A_834 : i32 to vector<16xi32>
      %ge3A_836 = arith.cmpi sge, %sub3A_833, %ge3A_835 : vector<16xi32>
      %lt3A_837 = arith.constant 200 : i32
      %lt3A_838 = vector.broadcast %lt3A_837 : i32 to vector<16xi32>
      %lt3A_839 = arith.cmpi slt, %sub3A_833, %lt3A_838 : vector<16xi32>
      %and3A_840 = arith.andi %ge3A_836, %lt3A_839 : vector<16xi1>
      tpu.vector_store_idx %arg6[%sub3A_833, %add3A_830], %broadcast_in_dim3A_7 masked %and3A_840 : memref<200x128xf32, #tpu.memory_space<vmem>>[vector<16xi32>, vector<16xi32>], vector<16xf32>, vector<16xi1>
      %add3A_841 = arith.constant 96 : i32
      %add3A_842 = vector.broadcast %add3A_841 : i32 to vector<16xi32>
      %add3A_843 = arith.addi %add3A_842, %iota3A_761 : vector<16xi32>
      %gather3A_844 = tpu.vector_load_idx %arg4[%broadcast_in_dim3A_762, %add3A_843] : memref<26x128xi32, #tpu.memory_space<vmem>>[vector<16xi32>, vector<16xi32>], vector<16xi32>,
      %sub3A_845 = vector.broadcast %mul3A_760 : i32 to vector<16xi32>
      %sub3A_846 = arith.subi %gather3A_844, %sub3A_845 : vector<16xi32>
      %ge3A_847 = arith.constant 0 : i32
      %ge3A_848 = vector.broadcast %ge3A_847 : i32 to vector<16xi32>
      %ge3A_849 = arith.cmpi sge, %sub3A_846, %ge3A_848 : vector<16xi32>
      %lt3A_850 = arith.constant 200 : i32
      %lt3A_851 = vector.broadcast %lt3A_850 : i32 to vector<16xi32>
      %lt3A_852 = arith.cmpi slt, %sub3A_846, %lt3A_851 : vector<16xi32>
      %and3A_853 = arith.andi %ge3A_849, %lt3A_852 : vector<16xi1>
      tpu.vector_store_idx %arg6[%sub3A_846, %add3A_843], %broadcast_in_dim3A_7 masked %and3A_853 : memref<200x128xf32, #tpu.memory_space<vmem>>[vector<16xi32>, vector<16xi32>], vector<16xf32>, vector<16xi1>
      %add3A_854 = arith.constant 112 : i32
      %add3A_855 = vector.broadcast %add3A_854 : i32 to vector<16xi32>
      %add3A_856 = arith.addi %add3A_855, %iota3A_761 : vector<16xi32>
      %gather3A_857 = tpu.vector_load_idx %arg4[%broadcast_in_dim3A_762, %add3A_856] : memref<26x128xi32, #tpu.memory_space<vmem>>[vector<16xi32>, vector<16xi32>], vector<16xi32>,
      %sub3A_858 = vector.broadcast %mul3A_760 : i32 to vector<16xi32>
      %sub3A_859 = arith.subi %gather3A_857, %sub3A_858 : vector<16xi32>
      %ge3A_860 = arith.constant 0 : i32
      %ge3A_861 = vector.broadcast %ge3A_860 : i32 to vector<16xi32>
      %ge3A_862 = arith.cmpi sge, %sub3A_859, %ge3A_861 : vector<16xi32>
      %lt3A_863 = arith.constant 200 : i32
      %lt3A_864 = vector.broadcast %lt3A_863 : i32 to vector<16xi32>
      %lt3A_865 = arith.cmpi slt, %sub3A_859, %lt3A_864 : vector<16xi32>
      %and3A_866 = arith.andi %ge3A_862, %lt3A_865 : vector<16xi1>
      tpu.vector_store_idx %arg6[%sub3A_859, %add3A_856], %broadcast_in_dim3A_7 masked %and3A_866 : memref<200x128xf32, #tpu.memory_space<vmem>>[vector<16xi32>, vector<16xi32>], vector<16xf32>, vector<16xi1>
      %jit3A_867 = arith.constant 5 : i32
      %div3A_868 = arith.divsi %add3A_670, %jit3A_867 : i32
      %sign3A_869 = arith.constant 0 : i32
      %sign3A_870 = arith.cmpi sgt, %add3A_670, %sign3A_869 : i32
      %sign3A_871 = arith.extui %sign3A_870 : i1 to i32
      %sign3A_872 = arith.constant 0 : i32
      %sign3A_873 = arith.cmpi slt, %add3A_670, %sign3A_872 : i32
      %sign3A_874 = arith.extui %sign3A_873 : i1 to i32
      %sign3A_875 = arith.subi %sign3A_871, %sign3A_874 : i32
      %sign3A_876 = arith.constant 0 : i32
      %sign3A_877 = arith.cmpi sgt, %jit3A_867, %sign3A_876 : i32
      %sign3A_878 = arith.extui %sign3A_877 : i1 to i32
      %sign3A_879 = arith.constant 0 : i32
      %sign3A_880 = arith.cmpi slt, %jit3A_867, %sign3A_879 : i32
      %sign3A_881 = arith.extui %sign3A_880 : i1 to i32
      %sign3A_882 = arith.subi %sign3A_878, %sign3A_881 : i32
      %ne3A_883 = arith.cmpi ne, %sign3A_875, %sign3A_882 : i32
      %rem3A_884 = arith.remsi %add3A_670, %jit3A_867 : i32
      %ne3A_885 = arith.constant 0 : i32
      %ne3A_886 = arith.cmpi ne, %rem3A_884, %ne3A_885 : i32
      %and3A_887 = arith.andi %ne3A_883, %ne3A_886 : i1
      %sub3A_888 = arith.constant 1 : i32
      %sub3A_889 = arith.subi %div3A_868, %sub3A_888 : i32
      %select_n3A_890 = arith.select %and3A_887, %sub3A_889, %div3A_868 : i32
      %jit3A_891 = arith.constant 5 : i32
      %eq3A_892 = arith.constant 0 : i32
      %eq3A_893 = arith.cmpi eq, %jit3A_891, %eq3A_892 : i32
      %jit3A_894 = arith.constant 1 : i32
      %select_n3A_895 = arith.select %eq3A_893, %jit3A_894, %jit3A_891 : i32
      %rem3A_896 = arith.remsi %add3A_670, %select_n3A_895 : i32
      %ne3A_897 = arith.constant 0 : i32
      %ne3A_898 = arith.cmpi ne, %rem3A_896, %ne3A_897 : i32
      %lt3A_899 = arith.constant 0 : i32
      %lt3A_900 = arith.cmpi slt, %rem3A_896, %lt3A_899 : i32
      %lt3A_901 = arith.constant 0 : i32
      %lt3A_902 = arith.cmpi slt, %select_n3A_895, %lt3A_901 : i32
      %ne3A_903 = arith.xori %lt3A_900, %lt3A_902 : i1
      %and3A_904 = arith.andi %ne3A_903, %ne3A_898 : i1
      %add3A_905 = arith.addi %rem3A_896, %select_n3A_895 : i32
      %select_n3A_906 = arith.select %and3A_904, %add3A_905, %rem3A_896 : i32
      %mul3A_907 = arith.constant 200 : i32
      %mul3A_908 = arith.muli %select_n3A_906, %mul3A_907 : i32
      %iota3A_909 = tpu.iota {dimensions = array<i32: 0>} : vector<16xi32>
      %broadcast_in_dim3A_910 = vector.broadcast %select_n3A_890 : i32 to vector<16xi32>
      %add3A_911 = arith.constant 0 : i32
      %add3A_912 = vector.broadcast %add3A_911 : i32 to vector<16xi32>
      %add3A_913 = arith.addi %add3A_912, %iota3A_909 : vector<16xi32>
      %gather3A_914 = tpu.vector_load_idx %arg4[%broadcast_in_dim3A_910, %add3A_913] : memref<26x128xi32, #tpu.memory_space<vmem>>[vector<16xi32>, vector<16xi32>], vector<16xi32>,
      %sub3A_915 = vector.broadcast %mul3A_908 : i32 to vector<16xi32>
      %sub3A_916 = arith.subi %gather3A_914, %sub3A_915 : vector<16xi32>
      %ge3A_917 = arith.constant 0 : i32
      %ge3A_918 = vector.broadcast %ge3A_917 : i32 to vector<16xi32>
      %ge3A_919 = arith.cmpi sge, %sub3A_916, %ge3A_918 : vector<16xi32>
      %lt3A_920 = arith.constant 200 : i32
      %lt3A_921 = vector.broadcast %lt3A_920 : i32 to vector<16xi32>
      %lt3A_922 = arith.cmpi slt, %sub3A_916, %lt3A_921 : vector<16xi32>
      %and3A_923 = arith.andi %ge3A_919, %lt3A_922 : vector<16xi1>
      tpu.vector_store_idx %arg6[%sub3A_916, %add3A_913], %broadcast_in_dim3A_5 masked %and3A_923 : memref<200x128xf32, #tpu.memory_space<vmem>>[vector<16xi32>, vector<16xi32>], vector<16xf32>, vector<16xi1>
      %add3A_924 = arith.constant 16 : i32
      %add3A_925 = vector.broadcast %add3A_924 : i32 to vector<16xi32>
      %add3A_926 = arith.addi %add3A_925, %iota3A_909 : vector<16xi32>
      %gather3A_927 = tpu.vector_load_idx %arg4[%broadcast_in_dim3A_910, %add3A_926] : memref<26x128xi32, #tpu.memory_space<vmem>>[vector<16xi32>, vector<16xi32>], vector<16xi32>,
      %sub3A_928 = vector.broadcast %mul3A_908 : i32 to vector<16xi32>
      %sub3A_929 = arith.subi %gather3A_927, %sub3A_928 : vector<16xi32>
      %ge3A_930 = arith.constant 0 : i32
      %ge3A_931 = vector.broadcast %ge3A_930 : i32 to vector<16xi32>
      %ge3A_932 = arith.cmpi sge, %sub3A_929, %ge3A_931 : vector<16xi32>
      %lt3A_933 = arith.constant 200 : i32
      %lt3A_934 = vector.broadcast %lt3A_933 : i32 to vector<16xi32>
      %lt3A_935 = arith.cmpi slt, %sub3A_929, %lt3A_934 : vector<16xi32>
      %and3A_936 = arith.andi %ge3A_932, %lt3A_935 : vector<16xi1>
      tpu.vector_store_idx %arg6[%sub3A_929, %add3A_926], %broadcast_in_dim3A_5 masked %and3A_936 : memref<200x128xf32, #tpu.memory_space<vmem>>[vector<16xi32>, vector<16xi32>], vector<16xf32>, vector<16xi1>
      %add3A_937 = arith.constant 32 : i32
      %add3A_938 = vector.broadcast %add3A_937 : i32 to vector<16xi32>
      %add3A_939 = arith.addi %add3A_938, %iota3A_909 : vector<16xi32>
      %gather3A_940 = tpu.vector_load_idx %arg4[%broadcast_in_dim3A_910, %add3A_939] : memref<26x128xi32, #tpu.memory_space<vmem>>[vector<16xi32>, vector<16xi32>], vector<16xi32>,
      %sub3A_941 = vector.broadcast %mul3A_908 : i32 to vector<16xi32>
      %sub3A_942 = arith.subi %gather3A_940, %sub3A_941 : vector<16xi32>
      %ge3A_943 = arith.constant 0 : i32
      %ge3A_944 = vector.broadcast %ge3A_943 : i32 to vector<16xi32>
      %ge3A_945 = arith.cmpi sge, %sub3A_942, %ge3A_944 : vector<16xi32>
      %lt3A_946 = arith.constant 200 : i32
      %lt3A_947 = vector.broadcast %lt3A_946 : i32 to vector<16xi32>
      %lt3A_948 = arith.cmpi slt, %sub3A_942, %lt3A_947 : vector<16xi32>
      %and3A_949 = arith.andi %ge3A_945, %lt3A_948 : vector<16xi1>
      tpu.vector_store_idx %arg6[%sub3A_942, %add3A_939], %broadcast_in_dim3A_5 masked %and3A_949 : memref<200x128xf32, #tpu.memory_space<vmem>>[vector<16xi32>, vector<16xi32>], vector<16xf32>, vector<16xi1>
      %add3A_950 = arith.constant 48 : i32
      %add3A_951 = vector.broadcast %add3A_950 : i32 to vector<16xi32>
      %add3A_952 = arith.addi %add3A_951, %iota3A_909 : vector<16xi32>
      %gather3A_953 = tpu.vector_load_idx %arg4[%broadcast_in_dim3A_910, %add3A_952] : memref<26x128xi32, #tpu.memory_space<vmem>>[vector<16xi32>, vector<16xi32>], vector<16xi32>,
      %sub3A_954 = vector.broadcast %mul3A_908 : i32 to vector<16xi32>
      %sub3A_955 = arith.subi %gather3A_953, %sub3A_954 : vector<16xi32>
      %ge3A_956 = arith.constant 0 : i32
      %ge3A_957 = vector.broadcast %ge3A_956 : i32 to vector<16xi32>
      %ge3A_958 = arith.cmpi sge, %sub3A_955, %ge3A_957 : vector<16xi32>
      %lt3A_959 = arith.constant 200 : i32
      %lt3A_960 = vector.broadcast %lt3A_959 : i32 to vector<16xi32>
      %lt3A_961 = arith.cmpi slt, %sub3A_955, %lt3A_960 : vector<16xi32>
      %and3A_962 = arith.andi %ge3A_958, %lt3A_961 : vector<16xi1>
      tpu.vector_store_idx %arg6[%sub3A_955, %add3A_952], %broadcast_in_dim3A_5 masked %and3A_962 : memref<200x128xf32, #tpu.memory_space<vmem>>[vector<16xi32>, vector<16xi32>], vector<16xf32>, vector<16xi1>
      %add3A_963 = arith.constant 64 : i32
      %add3A_964 = vector.broadcast %add3A_963 : i32 to vector<16xi32>
      %add3A_965 = arith.addi %add3A_964, %iota3A_909 : vector<16xi32>
      %gather3A_966 = tpu.vector_load_idx %arg4[%broadcast_in_dim3A_910, %add3A_965] : memref<26x128xi32, #tpu.memory_space<vmem>>[vector<16xi32>, vector<16xi32>], vector<16xi32>,
      %sub3A_967 = vector.broadcast %mul3A_908 : i32 to vector<16xi32>
      %sub3A_968 = arith.subi %gather3A_966, %sub3A_967 : vector<16xi32>
      %ge3A_969 = arith.constant 0 : i32
      %ge3A_970 = vector.broadcast %ge3A_969 : i32 to vector<16xi32>
      %ge3A_971 = arith.cmpi sge, %sub3A_968, %ge3A_970 : vector<16xi32>
      %lt3A_972 = arith.constant 200 : i32
      %lt3A_973 = vector.broadcast %lt3A_972 : i32 to vector<16xi32>
      %lt3A_974 = arith.cmpi slt, %sub3A_968, %lt3A_973 : vector<16xi32>
      %and3A_975 = arith.andi %ge3A_971, %lt3A_974 : vector<16xi1>
      tpu.vector_store_idx %arg6[%sub3A_968, %add3A_965], %broadcast_in_dim3A_5 masked %and3A_975 : memref<200x128xf32, #tpu.memory_space<vmem>>[vector<16xi32>, vector<16xi32>], vector<16xf32>, vector<16xi1>
      %add3A_976 = arith.constant 80 : i32
      %add3A_977 = vector.broadcast %add3A_976 : i32 to vector<16xi32>
      %add3A_978 = arith.addi %add3A_977, %iota3A_909 : vector<16xi32>
      %gather3A_979 = tpu.vector_load_idx %arg4[%broadcast_in_dim3A_910, %add3A_978] : memref<26x128xi32, #tpu.memory_space<vmem>>[vector<16xi32>, vector<16xi32>], vector<16xi32>,
      %sub3A_980 = vector.broadcast %mul3A_908 : i32 to vector<16xi32>
      %sub3A_981 = arith.subi %gather3A_979, %sub3A_980 : vector<16xi32>
      %ge3A_982 = arith.constant 0 : i32
      %ge3A_983 = vector.broadcast %ge3A_982 : i32 to vector<16xi32>
      %ge3A_984 = arith.cmpi sge, %sub3A_981, %ge3A_983 : vector<16xi32>
      %lt3A_985 = arith.constant 200 : i32
      %lt3A_986 = vector.broadcast %lt3A_985 : i32 to vector<16xi32>
      %lt3A_987 = arith.cmpi slt, %sub3A_981, %lt3A_986 : vector<16xi32>
      %and3A_988 = arith.andi %ge3A_984, %lt3A_987 : vector<16xi1>
      tpu.vector_store_idx %arg6[%sub3A_981, %add3A_978], %broadcast_in_dim3A_5 masked %and3A_988 : memref<200x128xf32, #tpu.memory_space<vmem>>[vector<16xi32>, vector<16xi32>], vector<16xf32>, vector<16xi1>
      %add3A_989 = arith.constant 96 : i32
      %add3A_990 = vector.broadcast %add3A_989 : i32 to vector<16xi32>
      %add3A_991 = arith.addi %add3A_990, %iota3A_909 : vector<16xi32>
      %gather3A_992 = tpu.vector_load_idx %arg4[%broadcast_in_dim3A_910, %add3A_991] : memref<26x128xi32, #tpu.memory_space<vmem>>[vector<16xi32>, vector<16xi32>], vector<16xi32>,
      %sub3A_993 = vector.broadcast %mul3A_908 : i32 to vector<16xi32>
      %sub3A_994 = arith.subi %gather3A_992, %sub3A_993 : vector<16xi32>
      %ge3A_995 = arith.constant 0 : i32
      %ge3A_996 = vector.broadcast %ge3A_995 : i32 to vector<16xi32>
      %ge3A_997 = arith.cmpi sge, %sub3A_994, %ge3A_996 : vector<16xi32>
      %lt3A_998 = arith.constant 200 : i32
      %lt3A_999 = vector.broadcast %lt3A_998 : i32 to vector<16xi32>
      %lt3A_1000 = arith.cmpi slt, %sub3A_994, %lt3A_999 : vector<16xi32>
      %and3A_1001 = arith.andi %ge3A_997, %lt3A_1000 : vector<16xi1>
      tpu.vector_store_idx %arg6[%sub3A_994, %add3A_991], %broadcast_in_dim3A_5 masked %and3A_1001 : memref<200x128xf32, #tpu.memory_space<vmem>>[vector<16xi32>, vector<16xi32>], vector<16xf32>, vector<16xi1>
      %add3A_1002 = arith.constant 112 : i32
      %add3A_1003 = vector.broadcast %add3A_1002 : i32 to vector<16xi32>
      %add3A_1004 = arith.addi %add3A_1003, %iota3A_909 : vector<16xi32>
      %gather3A_1005 = tpu.vector_load_idx %arg4[%broadcast_in_dim3A_910, %add3A_1004] : memref<26x128xi32, #tpu.memory_space<vmem>>[vector<16xi32>, vector<16xi32>], vector<16xi32>,
      %sub3A_1006 = vector.broadcast %mul3A_908 : i32 to vector<16xi32>
      %sub3A_1007 = arith.subi %gather3A_1005, %sub3A_1006 : vector<16xi32>
      %ge3A_1008 = arith.constant 0 : i32
      %ge3A_1009 = vector.broadcast %ge3A_1008 : i32 to vector<16xi32>
      %ge3A_1010 = arith.cmpi sge, %sub3A_1007, %ge3A_1009 : vector<16xi32>
      %lt3A_1011 = arith.constant 200 : i32
      %lt3A_1012 = vector.broadcast %lt3A_1011 : i32 to vector<16xi32>
      %lt3A_1013 = arith.cmpi slt, %sub3A_1007, %lt3A_1012 : vector<16xi32>
      %and3A_1014 = arith.andi %ge3A_1010, %lt3A_1013 : vector<16xi1>
      tpu.vector_store_idx %arg6[%sub3A_1007, %add3A_1004], %broadcast_in_dim3A_5 masked %and3A_1014 : memref<200x128xf32, #tpu.memory_space<vmem>>[vector<16xi32>, vector<16xi32>], vector<16xf32>, vector<16xi1>
      %jit3A_1015 = arith.constant 5 : i32
      %div3A_1016 = arith.divsi %add3A_670, %jit3A_1015 : i32
      %sign3A_1017 = arith.constant 0 : i32
      %sign3A_1018 = arith.cmpi sgt, %add3A_670, %sign3A_1017 : i32
      %sign3A_1019 = arith.extui %sign3A_1018 : i1 to i32
      %sign3A_1020 = arith.constant 0 : i32
      %sign3A_1021 = arith.cmpi slt, %add3A_670, %sign3A_1020 : i32
      %sign3A_1022 = arith.extui %sign3A_1021 : i1 to i32
      %sign3A_1023 = arith.subi %sign3A_1019, %sign3A_1022 : i32
      %sign3A_1024 = arith.constant 0 : i32
      %sign3A_1025 = arith.cmpi sgt, %jit3A_1015, %sign3A_1024 : i32
      %sign3A_1026 = arith.extui %sign3A_1025 : i1 to i32
      %sign3A_1027 = arith.constant 0 : i32
      %sign3A_1028 = arith.cmpi slt, %jit3A_1015, %sign3A_1027 : i32
      %sign3A_1029 = arith.extui %sign3A_1028 : i1 to i32
      %sign3A_1030 = arith.subi %sign3A_1026, %sign3A_1029 : i32
      %ne3A_1031 = arith.cmpi ne, %sign3A_1023, %sign3A_1030 : i32
      %rem3A_1032 = arith.remsi %add3A_670, %jit3A_1015 : i32
      %ne3A_1033 = arith.constant 0 : i32
      %ne3A_1034 = arith.cmpi ne, %rem3A_1032, %ne3A_1033 : i32
      %and3A_1035 = arith.andi %ne3A_1031, %ne3A_1034 : i1
      %sub3A_1036 = arith.constant 1 : i32
      %sub3A_1037 = arith.subi %div3A_1016, %sub3A_1036 : i32
      %select_n3A_1038 = arith.select %and3A_1035, %sub3A_1037, %div3A_1016 : i32
      %jit3A_1039 = arith.constant 5 : i32
      %eq3A_1040 = arith.constant 0 : i32
      %eq3A_1041 = arith.cmpi eq, %jit3A_1039, %eq3A_1040 : i32
      %jit3A_1042 = arith.constant 1 : i32
      %select_n3A_1043 = arith.select %eq3A_1041, %jit3A_1042, %jit3A_1039 : i32
      %rem3A_1044 = arith.remsi %add3A_670, %select_n3A_1043 : i32
      %ne3A_1045 = arith.constant 0 : i32
      %ne3A_1046 = arith.cmpi ne, %rem3A_1044, %ne3A_1045 : i32
      %lt3A_1047 = arith.constant 0 : i32
      %lt3A_1048 = arith.cmpi slt, %rem3A_1044, %lt3A_1047 : i32
      %lt3A_1049 = arith.constant 0 : i32
      %lt3A_1050 = arith.cmpi slt, %select_n3A_1043, %lt3A_1049 : i32
      %ne3A_1051 = arith.xori %lt3A_1048, %lt3A_1050 : i1
      %and3A_1052 = arith.andi %ne3A_1051, %ne3A_1046 : i1
      %add3A_1053 = arith.addi %rem3A_1044, %select_n3A_1043 : i32
      %select_n3A_1054 = arith.select %and3A_1052, %add3A_1053, %rem3A_1044 : i32
      %mul3A_1055 = arith.constant 200 : i32
      %mul3A_1056 = arith.muli %select_n3A_1054, %mul3A_1055 : i32
      %dma_start3A_1057 = tpu.memref_slice %arg3[%select_n3A_1038, %mul3A_1056, %mul3A_2] : memref<26x1000x4096xf32, #tpu.memory_space<hbm>> -> memref<1x200x128xf32, #tpu.memory_space<hbm>>
      %dma_start3A_1058 = tpu.memref_squeeze %dma_start3A_1057 : memref<1x200x128xf32, #tpu.memory_space<hbm>> -> memref<200x128xf32, #tpu.memory_space<hbm>>
      %dma_start3A_1059 = tpu.memref_slice %arg3[%select_n3A_1038, %mul3A_1056, %mul3A_2] : memref<26x1000x4096xf32, #tpu.memory_space<hbm>> -> memref<1x200x128xf32, #tpu.memory_space<hbm>>
      %dma_start3A_1060 = tpu.memref_squeeze %dma_start3A_1059 : memref<1x200x128xf32, #tpu.memory_space<hbm>> -> memref<200x128xf32, #tpu.memory_space<hbm>>
      tpu.enqueue_dma source(%arg6 : memref<200x128xf32, #tpu.memory_space<vmem>>) target(%dma_start3A_1060 : memref<200x128xf32, #tpu.memory_space<hbm>>) target_semaphore(%arg8 : memref<!tpu.dma_semaphore, #tpu.memory_space<semaphore_mem>>)
      %scan3A_1061 = arith.constant 0 : i32
      scf.yield %scan3A_1061 : i32
    }
    %scan3A_264 = arith.constant 64 : i32
    %dma_wait3A = arith.constant 25 : i32
    %dma_wait3A_265 = arith.constant 600 : i32
    %dma_wait3A_266 = tpu.memref_slice %arg3[%dma_wait3A, %dma_wait3A_265, %mul3A_2] : memref<26x1000x4096xf32, #tpu.memory_space<hbm>> -> memref<1x200x128xf32, #tpu.memory_space<hbm>>
    %dma_wait3A_267 = tpu.memref_squeeze %dma_wait3A_266 : memref<1x200x128xf32, #tpu.memory_space<hbm>> -> memref<200x128xf32, #tpu.memory_space<hbm>>
    %dma_wait3A_268 = arith.constant 600 : i32
    %dma_wait3A_269 = tpu.memref_slice %arg3[%dma_wait3A, %dma_wait3A_268, %mul3A_2] : memref<26x1000x4096xf32, #tpu.memory_space<hbm>> -> memref<1x200x128xf32, #tpu.memory_space<hbm>>
    %dma_wait3A_270 = tpu.memref_squeeze %dma_wait3A_269 : memref<1x200x128xf32, #tpu.memory_space<hbm>> -> memref<200x128xf32, #tpu.memory_space<hbm>>
    tpu.wait_dma2 semaphore(%arg7 : memref<!tpu.dma_semaphore, #tpu.memory_space<semaphore_mem>>) src(%arg5 : memref<200x128xf32, #tpu.memory_space<vmem>>) dst(%dma_wait3A_270 : memref<200x128xf32, #tpu.memory_space<hbm>>)
    %dma_wait3A_271 = arith.constant 25 : i32
    %dma_wait3A_272 = arith.constant 800 : i32
    %dma_wait3A_273 = tpu.memref_slice %arg3[%dma_wait3A_271, %dma_wait3A_272, %mul3A_2] : memref<26x1000x4096xf32, #tpu.memory_space<hbm>> -> memref<1x200x128xf32, #tpu.memory_space<hbm>>
    %dma_wait3A_274 = tpu.memref_squeeze %dma_wait3A_273 : memref<1x200x128xf32, #tpu.memory_space<hbm>> -> memref<200x128xf32, #tpu.memory_space<hbm>>
    %dma_wait3A_275 = arith.constant 800 : i32
    %dma_wait3A_276 = tpu.memref_slice %arg3[%dma_wait3A_271, %dma_wait3A_275, %mul3A_2] : memref<26x1000x4096xf32, #tpu.memory_space<hbm>> -> memref<1x200x128xf32, #tpu.memory_space<hbm>>
    %dma_wait3A_277 = tpu.memref_squeeze %dma_wait3A_276 : memref<1x200x128xf32, #tpu.memory_space<hbm>> -> memref<200x128xf32, #tpu.memory_space<hbm>>
    tpu.wait_dma2 semaphore(%arg8 : memref<!tpu.dma_semaphore, #tpu.memory_space<semaphore_mem>>) src(%arg6 : memref<200x128xf32, #tpu.memory_space<vmem>>) dst(%dma_wait3A_277 : memref<200x128xf32, #tpu.memory_space<hbm>>)
    return
  }
}

</mosaic_0001>

<sc_bundles>
// kernel: _onehot.3.cloned.1.call-start
scs
__scs_entry_jumppad:
0x0: {  	(pc) =	sbr.rel $0x88, $3  }
0x1: {  	(tag) =	ssettag $0x0;
	lr =	simm.s32 $0x1  }
0x2: {  	[smem:$0x3FA0] =	sst lr;
	_ =	strace $0xD0000000  }
0x3: {  	_ = 	snop  }
0x4: {  	_ = 	snop  }
0x5: {  	_ = 	snop  }
0x6: {  	_ = 	snop  }
0x7: {  	_ = 	snop  }
__scs_overlays_trampoline_lowered:
0x8: {  	[smem:$0x3FAF] =	sst s0  }
0x9: {  	[smem:$0x3FB0] =	sst s1  }
0xa: {  	[smem:$0x3FB1] =	sst s2  }
0xb: {  	[smem:$0x3FB2] =	sst s3  }
0xc: {  	[smem:$0x3FB3] =	sst s4  }
0xd: {  	[smem:$0x3FB4] =	sst s5  }
0xe: {  	[smem:$0x3FB5] =	sst s6  }
0xf: {  	[smem:$0x3FB6] =	sst s7  }
0x10: {  	[smem:$0x3FB7] =	sst s8  }
0x11: {  	[smem:$0x3FB8] =	sst s9;
	s0 =	simm.s32 @!p0 $0x0  }
0x12: {  	s1 =	sld [smem:$0x3F9E];
	s0 =	simm.s32 @p0 $0x1  }
0x13: {  	[smem:$0x3FB9] =	sst s0;
	s0 =	simm.s32 @!p1 $0x0  }
0x14: {  	s2 =	sld [smem:$0x3F9D];
	s0 =	simm.s32 @p1 $0x1  }
0x15: {  	[smem:$0x3FBA] =	sst s0;
	s0 =	simm.s32 @!p2 $0x0  }
0x16: {  	s3 =	sld [smem:$0x3FDB];
	s0 =	simm.s32 @p2 $0x1  }
0x17: {  	s4 =	simm.s32 $0x1BF5;
	[smem:$0x3FBC] =	sst s0  }
0x18: {  	s0 =	sld [smem:$0x3F9F];
	_ =	swait.ge [sflag:s4], $0x0  }
0x19: {  	s7 =	sld [smem:$0x3FA0]  }
0x1a: {  	s8 =	sadd.s32 $0xFFFFE003, lr  }
0x1b: {  	s9 =	sadd.s32 $0xFFFFFEF7, lr;
	s5 =	simm.s32 $0xFFFFFFFF;
	p2 =	slt.u32 s8, $0xFFFFF086  }
0x1c: {  	p1 =	slt.u32 s9, $0xF7A;
	s5 =	simm.s32 @!p2 $0x0  }
0x1d: {  	s5 =	simm.s32 @p1 $0x1;
	p0 =	seq.s32 s7, s2  }
0x1e: {  	s7 =	smul.u32 @!p0 $0xF7A, s2;
	p2 =	seq.s32 @!p0 s5, $0x0  }
0x1f: {  	s9 =	smul.u32 $0xF7A, s1;
	s8 =	simm.s32 @!p0 $0x1BF5;
	p2 =	por !p2, p0  }
0x20: {  	[sflag:s8] =	ssyncset.s32 @!p0 $0xFFFFF086;
	s6 =	sadd.s32 @!p0 s3, s7;
	s7 =	simm.s32 @!p0 $0x108  }
0x21: {  	s3 =	sadd.s32 s3, s9;
	s6 =	sadd.s32 @!p0 $0x88, s6;
	s7 =	simm.s32 @p2 $0x1082  }
0x22: {  	[simem:s7], [sflag:s8] =	dma.local @!p0 [hbm:s6], $0xF7A  }
0x23: {  	s9 =	sor.u32 $0xD0000000, s2;
	s6 =	simm.s32 $0x108;
	_ =	swait.ge @!p0 [sflag:s8], $0x0  }
0x24: {  	s3 =	sadd.s32 $0x88, s3;
	s6 =	simm.s32 @!p1 $0x1082;
	[sflag:s4] =	ssyncset.s32 $0xFFFFF086  }
0x25: {  	[simem:s6], [sflag:s4] =	dma.local [hbm:s3], $0xF7A  }
0x26: {  	[smem:$0x3FA0] =	sst s1;
	(tag) =	ssettag s2;
	_ =	strace s9  }
0x27: {  	s1 =	sld [smem:$0x3FB0]  }
0x28: {  	s2 =	sld [smem:$0x3FB1]  }
0x29: {  	s4 =	sld [smem:$0x3FB3]  }
0x2a: {  	p0 =	seq.s32 s5, $0x0;
	s5 =	sld [smem:$0x3FB4]  }
0x2b: {  	s6 =	sld [smem:$0x3FB5]  }
0x2c: {  	s7 =	sld [smem:$0x3FB6]  }
0x2d: {  	s3 =	simm.s32 $0x108;
	s8 =	sld [smem:$0x3FB7]  }
0x2e: {  	s3 =	simm.s32 @!p0 $0x1082;
	s9 =	sld [smem:$0x3FB8]  }
0x2f: {  	lr =	sadd.s32 s0, s3;
	s0 =	sld [smem:$0x3FAF]  }
0x30: {  	s3 =	sld [smem:$0x3FB2]  }
0x31: {  	[smem:$0x3FBB] =	sst s10  }
0x32: {  	s10 =	sld [smem:$0x3FB9];
	_ =	sdelay $0x3  }
0x33: {  	p0 =	seq.s32 s10, $0x1;
	s10 =	sld [smem:$0x3FBB];
	_ =	sdelay $0x3  }
0x34: {  	[smem:$0x3FBB] =	sst s10  }
0x35: {  	s10 =	sld [smem:$0x3FBA];
	_ =	sdelay $0x3  }
0x36: {  	p1 =	seq.s32 s10, $0x1;
	s10 =	sld [smem:$0x3FBB];
	_ =	sdelay $0x3  }
0x37: {  	[smem:$0x3FBB] =	sst s10  }
0x38: {  	s10 =	sld [smem:$0x3FBC]  }
0x39: {  	_ = 	snop;
	(pc) =	sbr.ind lr, $3  }
0x3a: {  	_ = 	snop  }
0x3b: {  	_ = 	snop  }
0x3c: {  	p2 =	seq.s32 s10, $0x1;
	s10 =	sld [smem:$0x3FBB]  }
0x3d: {  	_ =	shalt  }
0x3e: {  	_ =	shalt  }
0x3f: {  	_ =	shalt  }
0x40: {  	_ =	shalt  }
0x41: {  	_ =	shalt  }
0x42: {  	_ =	shalt  }
0x43: {  	_ =	shalt  }
0x44: {  	_ =	shalt  }
0x45: {  	_ =	shalt  }
0x46: {  	_ =	shalt  }
0x47: {  	_ =	shalt  }
0x48: {  	_ =	shalt  }
0x49: {  	_ =	shalt  }
0x4a: {  	_ =	shalt  }
0x4b: {  	_ =	shalt  }
0x4c: {  	_ =	shalt  }
0x4d: {  	_ =	shalt  }
0x4e: {  	_ =	shalt  }
0x4f: {  	_ =	shalt  }
0x50: {  	_ =	shalt  }
0x51: {  	_ =	shalt  }
0x52: {  	_ =	shalt  }
0x53: {  	_ =	shalt  }
0x54: {  	_ =	shalt  }
0x55: {  	_ =	shalt  }
0x56: {  	_ =	shalt  }
0x57: {  	_ =	shalt  }
0x58: {  	_ =	shalt  }
0x59: {  	_ =	shalt  }
0x5a: {  	_ =	shalt  }
0x5b: {  	_ =	shalt  }
0x5c: {  	_ =	shalt  }
0x5d: {  	_ =	shalt  }
0x5e: {  	_ =	shalt  }
0x5f: {  	_ =	shalt  }
0x60: {  	_ =	shalt  }
0x61: {  	_ =	shalt  }
0x62: {  	_ =	shalt  }
0x63: {  	_ =	shalt  }
0x64: {  	_ =	shalt  }
0x65: {  	_ =	shalt  }
0x66: {  	_ =	shalt  }
0x67: {  	_ =	shalt  }
0x68: {  	_ =	shalt  }
0x69: {  	_ =	shalt  }
0x6a: {  	_ =	shalt  }
0x6b: {  	_ =	shalt  }
0x6c: {  	_ =	shalt  }
0x6d: {  	_ =	shalt  }
0x6e: {  	_ =	shalt  }
0x6f: {  	_ =	shalt  }
0x70: {  	_ =	shalt  }
0x71: {  	_ =	shalt  }
0x72: {  	_ =	shalt  }
0x73: {  	_ =	shalt  }
0x74: {  	_ =	shalt  }
0x75: {  	_ =	shalt  }
0x76: {  	_ =	shalt  }
0x77: {  	_ =	shalt  }
0x78: {  	_ =	shalt  }
0x79: {  	_ =	shalt  }
0x7a: {  	_ =	shalt  }
0x7b: {  	_ =	shalt  }
0x7c: {  	_ =	shalt  }
0x7d: {  	_ =	shalt  }
0x7e: {  	_ =	shalt  }
0x7f: {  	_ =	shalt  }
0x80: {  	_ =	shalt  }
0x81: {  	_ =	shalt  }
0x82: {  	_ =	shalt  }
0x83: {  	_ =	shalt  }
0x84: {  	_ =	shalt  }
0x85: {  	_ =	shalt  }
0x86: {  	_ =	shalt  }
0x87: {  	_ =	shalt  }
.Lfunc_end0:
.L_simem_size_0:
called_computation_lowered:
.L_overlay_start_0:
0x88: {  	s2 =	sld [smem:$0x3FD9]  }
0x89: {  	s3 =	sld [smem:$0x3FFE];
	_ =	sdelay $0x1  }
0x8a: {  	s1 =	srdreg.scid  }
0x8b: {  	s0 =	sand.u32 $0x1, s1  }
0x8c: {  	s18 =	sshll.u32 s0, $0xA;
	s2 =	sadd.s32 s3, s2  }
0x8d: {  	s2 =	sadd.s32 s2, s18  }
0x8e: {  	[smem:$0x3FC7] =	sst s2  }
0x8f: {  	_ = 	snop  }
0x90: {  	s2 =	sld [smem:$0x3FC9]  }
0x91: {  	s19 =	sld [smem:$0x3FD0];
	(tm) =	ssettm $0x1  }
0x92: {  	s4 =	sld [smem:$0x3FFB];
	_ =	sdelay $0x3  }
0x93: {  	_ =	strace s4  }
0x94: {  	s4 =	sld [smem:$0x3FFC];
	_ =	sdelay $0x3  }
0x95: {  	_ =	strace s4  }
0x96: {  	s4 =	sld [smem:$0x3FFD];
	_ =	sdelay $0x3  }
0x97: {  	_ =	strace s4  }
0x98: {  	_ =	strace $0x8FFFFFFF  }
0x99: {  	s20 =	sld [smem:$0x3FDB];
	_ =	sdelay $0x1  }
0x9a: {  	s5 =	simm.s32 $_scs_section_size  }
0x9b: {  	s6 =	simm.s32 $_size__tile_overlayer_lowered;
	s7 =	simm.s32 $_tile_overlayer_lowered  }
0x9c: {  	s23 =	simm.s32 $0x1BFF;
	s22 =	sshll.u32 s7, $0x1;
	s4 =	sadd.s32 s5, s20  }
0x9d: {  	s8 =	simm.s32 $0x0;
	s21 =	sshll.u32 s6, $0x1;
	s6 =	sadd.s32 s22, s4  }
0x9e: {  	[timem:s8], [sflag:s23] =	dma.local [hbm:s6], s21  }
0x9f: {  	_ =	swait.ge [sflag:s23], s21  }
0xa0: {  	s5 =	ssub.s32 $0x0, s21;
	[sflag:s23] =	ssyncset.done $0x0  }
0xa1: {  	[sflag:s23] =	ssyncadd.s32 s5;
	_ =	sdelay $0x1  }
0xa2: {  	s24 =	simm.s32 $0x1B8B  }
0xa3: {  	_ =	swait.ge [sflag:s24], $0x1  }
0xa4: {  	[sflag:s24] =	ssyncset.done $0x0  }
0xa5: {  	s25 =	simm.s32 $0x1B8E;
	[sflag:s24] =	ssyncadd.s32 $0xFFFFFFFF  }
0xa6: {  	s26 =	simm.s32 $execute0_lowered;
	[smem:$0x3FD2] =	sst s25  }
0xa7: {  	s5 =	sshll.u32 s26, $0x1;
	_ =	strace $0x80000046;
	[dreg:$0x1] =	wrdreg $0xFFFFFFFF  }
0xa8: {  	s28 =	simm.s32 $_size_execute0_lowered;
	s4 =	sadd.s32 s4, s5;
	[dreg:$0x0] =	wrdreg $0x0  }
0xa9: {  	s5 =	sshll.u32 s28, $0x1;
	[dreg:$0x2] =	wrdreg s4  }
0xaa: {  	[dreg:$0x3] =	wrdreg s5  }
0xab: {  	[dreg:$0x4] =	wrdreg $0xC0  }
0xac: {  	_ =	task [dreg:s8], $0x5FFFF  }
0xad: {  	[dreg:$0x1] =	wrdreg $0xFFFFFFFF  }
0xae: {  	[dreg:$0x0] =	wrdreg $0x60  }
0xaf: {  	[dreg:$0x2] =	wrdreg s2  }
0xb0: {  	[dreg:$0x3] =	wrdreg s19  }
0xb1: {  	[dreg:$0x4] =	wrdreg $0x9  }
0xb2: {  	_ =	task.clear_ibuf [dreg:s8], $0x5FFFF;
	_ =	strace $0x90000046  }
0xb3: {  	s29 =	simm.s32 $0x9;
	_ =	strace $0x80000048  }
0xb4: {  	_ =	swait.ge [sflag:s29], $0x1  }
0xb5: {  	[sflag:s29] =	ssyncadd.s32 $0xFFFFFFFF  }
0xb6: {  	_ =	strace $0x90000048  }
0xb7: {  	_ =	sfence  }
0xb8: {  	s30 =	sld [smem:$0x0];
	_ =	sdelay $0x2  }
0xb9: {  	s31 =	sshll.u32 s1, $0xD;
	s1 =	sshrl.u32 s1, $0x2  }
0xba: {  	s3 =	sand.u32 $0x4000, s31;
	s1 =	sadd.s32 s1, s30  }
0xbb: {  	s0 =	sor.u32 s3, s0;
	s1 =	sshll.u32 s1, $0x11  }
0xbc: {  	s0 =	sor.u32 s1, s0  }
0xbd: {  	s0 =	sadd.s32 $0x8F2B, s0  }
0xbe: {  	[sflag:s0] =	ssyncadd.remote.s32 $0x1  }
0xbf: {  	_ =	sfence.sel $0xFFFF  }
0xc0: {  	[dreg:$0x0] =	wrdreg $0xFFFFFFFF;
	(pc) =	sbr.abs _section_cstart, $3  }
0xc1: {  	[dreg:$0x1] =	wrdreg $0xFFFFFFFF  }
0xc2: {  	_ =	task.clear_ibuf [dreg:s8], $0x2FFFF;
	_ =	strace $0x9FFFFFFF  }
0xc3: {  	(tm) =	ssettm $0x7FFFFFFF  }
tec
execute0_lowered:
.L_overlay_start_1:
0x0: {  	(tag) =	ssettag $0x1  }
0x1: {  	s5 =	rddreg [dreg:$0x0]  }
0x2: {  	s2 =	rddreg [dreg:$0x1];
	s3 =	srdreg.scid  }
0x3: {  	s0 =	rddreg [dreg:$0x2];
	s1 =	stileid.u32;
	s10 =	simm.s32 $0x400  }
0x4: {  	s11 =	simm.s32 $0x8000;
	s12 =	simm.s32 $0xC00;
	s13 =	simm.s32 $0x3  }
0x5: {  	s14 =	simm.s32 $0x1000;
	s15 =	simm.s32 $0x7400;
	s16 =	simm.s32 $0x1  }
0x6: {  	v0 =	vimm.f32 $0.0e+00;
	v1 =	vlaneseq.u32;
	v2 =	vimm.f32 $1.000000000e+00;
	s17 =	simm.s32 $0x2;
	s18 =	simm.s32 $0x0;
	s4 =	sand.u32 $0x1, s3  }
0x7: {  	s3 =	simm.s32 $0x0;
	s6 =	sshll.u32 s1, $0xB;
	v3 =	vor.u32 $0x10, v1;
	v4 =	vor.u32 $0x20, v1;
	v5 =	vor.u32 $0x30, v1;
	s7 =	sshll.u32 s4, $0xA  }
0x8: {  	v6 =	vor.u32 $0x40, v1;
	v7 =	vor.u32 $0x50, v1;
	v8 =	vor.u32 $0x60, v1;
	[smem:$0x7FF] =	sst s3;
	s8 =	ssub.s32 $0x2, s4;
	s4 =	sor.u32 s7, s6  }
0x9: {  	v9 =	vor.u32 $0x70, v1;
	v10 =	vor.u32 $0xFFFF9C00, v1;
	v11 =	vor.u32 $0xFFFF9C10, v1;
	_ =	strace $0x80000047;
	s31 =	sshrl.u32 s8, $0x1;
	s7 =	sshrl.u32 s4, $0x3  }
0xa: {  	v12 =	vor.u32 $0xFFFF9C20, v1;
	v13 =	vor.u32 $0xFFFF9C30, v1;
	v14 =	vor.u32 $0xFFFF9C40, v1;
	s9 =	ssub.s32 s8, s31;
	s5 =	sadd.s32 s5, s7;
	s6 =	sadd.s32 s2, s7  }
0xb: {  	v15 =	vor.u32 $0xFFFF9C50, v1;
	v16 =	vor.u32 $0xFFFF9C60, v1;
	v17 =	vor.u32 $0xFFFF9C70, v1;
	s9 =	smax.u32 s9, $0x1;
	s7 =	sadd.s32 $0x3000, s5;
	s8 =	sadd.s32 $0x19000, s6  }
.LBB2_1:
0xc: {  	[tilespmem:s3], [sflag:$0x3] =	stream.strided.gather [hbm4b:s5+s10], $0xC00, s11, s10, $0x38;
	[tilespmem:$0xD800] =	vst v63  }
0xd: {  	_ = 	snop  }
0xe: {  	[tilespmem:s12], [sflag:$0x3] =	stream.linear.gather [hbm4b:s7+s3], $0x100, $0x38;
	[tilespmem:$0xD800] =	vst v63  }
0xf: {  	_ =	swait.ge [sflag:s13], $0xD00  }
0x10: {  	[sflag:s13] =	ssyncset.done $0x0  }
0x11: {  	s19 =	simm.s32 $0x0;
	s20 =	simm.s32 $0x200;
	[sflag:s13] =	ssyncadd.s32 $0xFFFFF300  }
.LBB2_2:
0x12: {  	p0 =	sne.s32 s20, $0x18E00;
	[tilespmem:s19+$0x1070] =	vst v0  }
0x13: {  	[tilespmem:s19+$0x1000] =	vst v0  }
0x14: {  	[tilespmem:s19+$0x1010] =	vst v0  }
.Ltmp0:
0x15: {  	[tilespmem:s19+$0x1020] =	vst v0;
	(pc) =	sbr.rel @p0 .LBB2_2-.Ltmp0, $4  }
0x16: {  	[tilespmem:s19+$0x1030] =	vst v0  }
0x17: {  	[tilespmem:s19+$0x1040] =	vst v0  }
0x18: {  	[tilespmem:s19+$0x1050] =	vst v0  }
0x19: {  	[tilespmem:s19+$0x1060] =	vst v0;
	s19 =	sshra.s32 s20, $0x2;
	s20 =	sadd.s32 $0x200, s20  }
0x1a: {  	[tilespmem:s19+$0x1070] =	vst v0  }
0x1b: {  	[tilespmem:s19+$0x1000] =	vst v0  }
0x1c: {  	[tilespmem:s19+$0x1010] =	vst v0  }
0x1d: {  	[tilespmem:s19+$0x1020] =	vst v0  }
0x1e: {  	[tilespmem:s19+$0x1030] =	vst v0  }
0x1f: {  	[tilespmem:s19+$0x1040] =	vst v0  }
0x20: {  	[tilespmem:s19+$0x1050] =	vst v0  }
0x21: {  	[tilespmem:s19+$0x1060] =	vst v0;
	s31 =	simm.s32 $0x0  }
0x22: {  	v18 =	vld.idx.msk [tilespmem:v1+s31+$0x0], $0xffff;
	_ =	sdelay $0x4  }
0x23: {  	vm0 =	vlt.u32 v18, $0xC8;
	v18 =	vshll.u32 v18, $0x7  }
0x24: {  	v18 =	vor.u32 v1, v18;
	_ =	sdelay $0x4  }
0x25: {  	[tilespmem:v18+s14+$0x0] =	vst.idx.msk vm0, v2  }
0x26: {  	v18 =	vld.idx.msk [tilespmem:v3+s31+$0x0], $0xffff;
	_ =	sdelay $0x4  }
0x27: {  	vm9 =	vlt.u32 v18, $0xC8;
	v18 =	vshll.u32 v18, $0x7  }
0x28: {  	v18 =	vor.u32 v3, v18;
	_ =	sdelay $0x4  }
0x29: {  	[tilespmem:v18+s14+$0x0] =	vst.idx.msk vm9, v2  }
0x2a: {  	v18 =	vld.idx.msk [tilespmem:v4+s31+$0x0], $0xffff;
	_ =	sdelay $0x4  }
0x2b: {  	vm10 =	vlt.u32 v18, $0xC8;
	v18 =	vshll.u32 v18, $0x7  }
0x2c: {  	v18 =	vor.u32 v4, v18;
	_ =	sdelay $0x4  }
0x2d: {  	[tilespmem:v18+s14+$0x0] =	vst.idx.msk vm10, v2  }
0x2e: {  	v18 =	vld.idx.msk [tilespmem:v5+s31+$0x0], $0xffff;
	_ =	sdelay $0x4  }
0x2f: {  	vm11 =	vlt.u32 v18, $0xC8;
	v18 =	vshll.u32 v18, $0x7  }
0x30: {  	v18 =	vor.u32 v5, v18;
	_ =	sdelay $0x4  }
0x31: {  	[tilespmem:v18+s14+$0x0] =	vst.idx.msk vm11, v2  }
0x32: {  	v18 =	vld.idx.msk [tilespmem:v6+s31+$0x0], $0xffff;
	_ =	sdelay $0x4  }
0x33: {  	vm12 =	vlt.u32 v18, $0xC8;
	v18 =	vshll.u32 v18, $0x7  }
0x34: {  	v18 =	vor.u32 v6, v18;
	_ =	sdelay $0x4  }
0x35: {  	[tilespmem:v18+s14+$0x0] =	vst.idx.msk vm12, v2  }
0x36: {  	v18 =	vld.idx.msk [tilespmem:v7+s31+$0x0], $0xffff;
	_ =	sdelay $0x4  }
0x37: {  	vm13 =	vlt.u32 v18, $0xC8;
	v18 =	vshll.u32 v18, $0x7  }
0x38: {  	v18 =	vor.u32 v7, v18;
	_ =	sdelay $0x4  }
0x39: {  	[tilespmem:v18+s14+$0x0] =	vst.idx.msk vm13, v2  }
0x3a: {  	v18 =	vld.idx.msk [tilespmem:v8+s31+$0x0], $0xffff;
	_ =	sdelay $0x4  }
0x3b: {  	vm14 =	vlt.u32 v18, $0xC8;
	v18 =	vshll.u32 v18, $0x7  }
0x3c: {  	v18 =	vor.u32 v8, v18;
	_ =	sdelay $0x4  }
0x3d: {  	[tilespmem:v18+s14+$0x0] =	vst.idx.msk vm14, v2  }
0x3e: {  	v18 =	vld.idx.msk [tilespmem:v9+s31+$0x0], $0xffff;
	_ =	sdelay $0x4  }
0x3f: {  	vm15 =	vlt.u32 v18, $0xC8;
	v18 =	vshll.u32 v18, $0x7  }
0x40: {  	v18 =	vor.u32 v9, v18;
	_ =	sdelay $0x4  }
0x41: {  	s19 =	simm.s32 $0x0;
	s20 =	simm.s32 $0x200;
	[tilespmem:v18+s14+$0x0] =	vst.idx.msk vm15, v2  }
0x42: {  	[hbm4b:s6+s10] =	stream.strided.scatter [tilespmem:s14], [sflag:$0x1], $0x6400, s11, s10, $0x38;
	[tilespmem:$0xD800] =	vst v63  }
.LBB2_4:
0x43: {  	p0 =	sne.s32 s20, $0x18E00;
	[tilespmem:s19+$0x7470] =	vst v0  }
0x44: {  	[tilespmem:s19+$0x7400] =	vst v0  }
0x45: {  	[tilespmem:s19+$0x7410] =	vst v0  }
.Ltmp1:
0x46: {  	[tilespmem:s19+$0x7420] =	vst v0;
	(pc) =	sbr.rel @p0 .LBB2_4-.Ltmp1, $4  }
0x47: {  	[tilespmem:s19+$0x7430] =	vst v0  }
0x48: {  	[tilespmem:s19+$0x7440] =	vst v0  }
0x49: {  	[tilespmem:s19+$0x7450] =	vst v0  }
0x4a: {  	[tilespmem:s19+$0x7460] =	vst v0;
	s19 =	sshra.s32 s20, $0x2;
	s20 =	sadd.s32 $0x200, s20  }
0x4b: {  	[tilespmem:s19+$0x7470] =	vst v0  }
0x4c: {  	[tilespmem:s19+$0x7400] =	vst v0  }
0x4d: {  	[tilespmem:s19+$0x7410] =	vst v0  }
0x4e: {  	[tilespmem:s19+$0x7420] =	vst v0  }
0x4f: {  	[tilespmem:s19+$0x7430] =	vst v0  }
0x50: {  	[tilespmem:s19+$0x7440] =	vst v0  }
0x51: {  	[tilespmem:s19+$0x7450] =	vst v0  }
0x52: {  	[tilespmem:s19+$0x7460] =	vst v0  }
0x53: {  	v18 =	vld.idx.msk [tilespmem:v1+s3+$0x0], $0xffff;
	_ =	sdelay $0x4  }
0x54: {  	v19 =	vadd.s32 $0xFFFFFF38, v18  }
0x55: {  	v18 =	vshll.u32 v18, $0x7;
	vm0 =	vlt.u32 v19, $0xC8  }
0x56: {  	v18 =	vadd.s32 v10, v18;
	_ =	sdelay $0x4  }
0x57: {  	[tilespmem:v18+s15+$0x0] =	vst.idx.msk vm0, v2  }
0x58: {  	v18 =	vld.idx.msk [tilespmem:v3+s3+$0x0], $0xffff;
	_ =	sdelay $0x4  }
0x59: {  	v19 =	vadd.s32 $0xFFFFFF38, v18  }
0x5a: {  	v18 =	vshll.u32 v18, $0x7;
	vm9 =	vlt.u32 v19, $0xC8  }
0x5b: {  	v18 =	vadd.s32 v11, v18;
	_ =	sdelay $0x4  }
0x5c: {  	[tilespmem:v18+s15+$0x0] =	vst.idx.msk vm9, v2  }
0x5d: {  	v18 =	vld.idx.msk [tilespmem:v4+s3+$0x0], $0xffff;
	_ =	sdelay $0x4  }
0x5e: {  	v19 =	vadd.s32 $0xFFFFFF38, v18  }
0x5f: {  	v18 =	vshll.u32 v18, $0x7;
	vm10 =	vlt.u32 v19, $0xC8  }
0x60: {  	v18 =	vadd.s32 v12, v18;
	_ =	sdelay $0x4  }
0x61: {  	[tilespmem:v18+s15+$0x0] =	vst.idx.msk vm10, v2  }
0x62: {  	v18 =	vld.idx.msk [tilespmem:v5+s3+$0x0], $0xffff;
	_ =	sdelay $0x4  }
0x63: {  	v19 =	vadd.s32 $0xFFFFFF38, v18  }
0x64: {  	v18 =	vshll.u32 v18, $0x7;
	vm11 =	vlt.u32 v19, $0xC8  }
0x65: {  	v18 =	vadd.s32 v13, v18;
	_ =	sdelay $0x4  }
0x66: {  	[tilespmem:v18+s15+$0x0] =	vst.idx.msk vm11, v2  }
0x67: {  	v18 =	vld.idx.msk [tilespmem:v6+s3+$0x0], $0xffff;
	_ =	sdelay $0x4  }
0x68: {  	v19 =	vadd.s32 $0xFFFFFF38, v18  }
0x69: {  	v18 =	vshll.u32 v18, $0x7;
	vm12 =	vlt.u32 v19, $0xC8  }
0x6a: {  	v18 =	vadd.s32 v14, v18;
	_ =	sdelay $0x4  }
0x6b: {  	[tilespmem:v18+s15+$0x0] =	vst.idx.msk vm12, v2  }
0x6c: {  	v18 =	vld.idx.msk [tilespmem:v7+s3+$0x0], $0xffff;
	_ =	sdelay $0x4  }
0x6d: {  	v19 =	vadd.s32 $0xFFFFFF38, v18  }
0x6e: {  	v18 =	vshll.u32 v18, $0x7;
	vm13 =	vlt.u32 v19, $0xC8  }
0x6f: {  	v18 =	vadd.s32 v15, v18;
	_ =	sdelay $0x4  }
0x70: {  	[tilespmem:v18+s15+$0x0] =	vst.idx.msk vm13, v2  }
0x71: {  	v18 =	vld.idx.msk [tilespmem:v8+s3+$0x0], $0xffff;
	_ =	sdelay $0x4  }
0x72: {  	v19 =	vadd.s32 $0xFFFFFF38, v18  }
0x73: {  	v18 =	vshll.u32 v18, $0x7;
	vm14 =	vlt.u32 v19, $0xC8  }
0x74: {  	v18 =	vadd.s32 v16, v18;
	_ =	sdelay $0x4  }
0x75: {  	[tilespmem:v18+s15+$0x0] =	vst.idx.msk vm14, v2  }
0x76: {  	v18 =	vld.idx.msk [tilespmem:v9+s3+$0x0], $0xffff;
	_ =	sdelay $0x4  }
0x77: {  	v19 =	vadd.s32 $0xFFFFFF38, v18  }
0x78: {  	v18 =	vshll.u32 v18, $0x7;
	vm15 =	vlt.u32 v19, $0xC8  }
0x79: {  	v18 =	vadd.s32 v17, v18;
	_ =	sdelay $0x4  }
0x7a: {  	s19 =	simm.s32 $0x1;
	[tilespmem:v18+s15+$0x0] =	vst.idx.msk vm15, v2  }
0x7b: {  	[hbm4b:s8+s10] =	stream.strided.scatter [tilespmem:s15], [sflag:$0x2], $0x6400, s11, s10, $0x38;
	[tilespmem:$0xD800] =	vst v63  }
.LBB2_6:
0x7c: {  	s20 =	sshll.u32 s19, $0x1  }
0x7d: {  	s21 =	sadd.s32 $0xFFFFFFFE, s20  }
0x7e: {  	s22 =	sshll.u32 s21, $0x18  }
0x7f: {  	s22 =	sshra.s32 s22, $0x18  }
0x80: {  	s22 =	smul.u32 $0x67, s22;
	_ =	sdelay $0x1  }
0x81: {  	s23 =	sshrl.u32 s22, $0x1F;
	s22 =	sshra.s32 s22, $0x9  }
0x82: {  	s22 =	sadd.s32 s23, s22  }
0x83: {  	s23 =	smul.u32 $0xFFFFFFFB, s22;
	_ =	sdelay $0x1  }
0x84: {  	s21 =	sadd.s32 s21, s23  }
0x85: {  	s23 =	sand.u32 $0xFF, s21  }
0x86: {  	p0 =	slt.u32 s19, $0x2;
	p1 =	sne.s32 s23, $0x0  }
0x87: {  	p0 =	por !p0, !p1  }
0x88: {  	s23 =	simm.s32 $0x1;
	p0 =	por !p0, !p0  }
0x89: {  	s23 =	simm.s32 @!p0 $0x0  }
0x8a: {  	s22 =	ssub.s32 s22, s23  }
0x8b: {  	s22 =	sshll.u32 s22, $0x7  }
0x8c: {  	v18 =	vor.u32 s22, v1;
	_ =	sdelay $0x1  }
0x8d: {  	_ =	swait.ge [sflag:s16], $0x6400  }
0x8e: {  	[sflag:s16] =	ssyncset.done $0x0;
	s21 =	sshll.u32 s21, $0x18  }
0x8f: {  	[sflag:s16] =	ssyncadd.s32 $0xFFFF9C00;
	s21 =	sshra.s32 s21, $0x18  }
0x90: {  	p0 =	slt.s32 s21, $0x0;
	s23 =	sadd.s32 $0x5, s21;
	v18 =	vld.idx.msk [tilespmem:v18+s3+$0x0], $0xffff  }
0x91: {  	s21 =	smov.u32 @p0 s23  }
0x92: {  	s21 =	smul.u32 $0xC8, s21;
	_ =	sdelay $0x1  }
0x93: {  	v19 =	vmov s21  }
0x94: {  	v18 =	vsub.s32 v18, v19  }
0x95: {  	vm0 =	vlt.u32 v18, $0xC8;
	v18 =	vshll.u32 v18, $0x7  }
0x96: {  	v18 =	vor.u32 v1, v18  }
0x97: {  	v20 =	vor.u32 s22, v3;
	_ =	sdelay $0x3  }
0x98: {  	[tilespmem:v18+s14+$0x0] =	vst.idx.msk vm0, v0  }
0x99: {  	v18 =	vld.idx.msk [tilespmem:v20+s3+$0x0], $0xffff;
	_ =	sdelay $0x4  }
0x9a: {  	v18 =	vsub.s32 v18, v19  }
0x9b: {  	vm9 =	vlt.u32 v18, $0xC8;
	v18 =	vshll.u32 v18, $0x7  }
0x9c: {  	v18 =	vor.u32 v3, v18  }
0x9d: {  	v37 =	vor.u32 s22, v4;
	_ =	sdelay $0x3  }
0x9e: {  	[tilespmem:v18+s14+$0x0] =	vst.idx.msk vm9, v0  }
0x9f: {  	v18 =	vld.idx.msk [tilespmem:v37+s3+$0x0], $0xffff;
	_ =	sdelay $0x4  }
0xa0: {  	v18 =	vsub.s32 v18, v19  }
0xa1: {  	vm10 =	vlt.u32 v18, $0xC8;
	v18 =	vshll.u32 v18, $0x7  }
0xa2: {  	v18 =	vor.u32 v4, v18  }
0xa3: {  	v38 =	vor.u32 s22, v5;
	_ =	sdelay $0x3  }
0xa4: {  	[tilespmem:v18+s14+$0x0] =	vst.idx.msk vm10, v0  }
0xa5: {  	v18 =	vld.idx.msk [tilespmem:v38+s3+$0x0], $0xffff;
	_ =	sdelay $0x4  }
0xa6: {  	v18 =	vsub.s32 v18, v19  }
0xa7: {  	vm11 =	vlt.u32 v18, $0xC8;
	v18 =	vshll.u32 v18, $0x7  }
0xa8: {  	v18 =	vor.u32 v5, v18  }
0xa9: {  	v39 =	vor.u32 s22, v6;
	_ =	sdelay $0x3  }
0xaa: {  	[tilespmem:v18+s14+$0x0] =	vst.idx.msk vm11, v0  }
0xab: {  	v18 =	vld.idx.msk [tilespmem:v39+s3+$0x0], $0xffff;
	_ =	sdelay $0x4  }
0xac: {  	v18 =	vsub.s32 v18, v19  }
0xad: {  	vm12 =	vlt.u32 v18, $0xC8;
	v18 =	vshll.u32 v18, $0x7  }
0xae: {  	v18 =	vor.u32 v6, v18  }
0xaf: {  	v40 =	vor.u32 s22, v7;
	_ =	sdelay $0x3  }
0xb0: {  	[tilespmem:v18+s14+$0x0] =	vst.idx.msk vm12, v0  }
0xb1: {  	v18 =	vld.idx.msk [tilespmem:v40+s3+$0x0], $0xffff;
	_ =	sdelay $0x4  }
0xb2: {  	v18 =	vsub.s32 v18, v19  }
0xb3: {  	vm13 =	vlt.u32 v18, $0xC8;
	v18 =	vshll.u32 v18, $0x7  }
0xb4: {  	v18 =	vor.u32 v7, v18  }
0xb5: {  	v41 =	vor.u32 s22, v8;
	_ =	sdelay $0x3  }
0xb6: {  	[tilespmem:v18+s14+$0x0] =	vst.idx.msk vm13, v0  }
0xb7: {  	v18 =	vld.idx.msk [tilespmem:v41+s3+$0x0], $0xffff;
	_ =	sdelay $0x4  }
0xb8: {  	v18 =	vsub.s32 v18, v19  }
0xb9: {  	vm14 =	vlt.u32 v18, $0xC8;
	v18 =	vshll.u32 v18, $0x7  }
0xba: {  	v18 =	vor.u32 v8, v18  }
0xbb: {  	v42 =	vor.u32 s22, v9;
	_ =	sdelay $0x3  }
0xbc: {  	[tilespmem:v18+s14+$0x0] =	vst.idx.msk vm14, v0  }
0xbd: {  	v18 =	vld.idx.msk [tilespmem:v42+s3+$0x0], $0xffff;
	_ =	sdelay $0x2  }
0xbe: {  	s24 =	sand.u32 $0xFE, s20  }
0xbf: {  	s21 =	smul.u32 $0xCD, s24  }
0xc0: {  	v18 =	vsub.s32 v18, v19  }
0xc1: {  	s21 =	sshrl.u32 s21, $0xA;
	vm15 =	vlt.u32 v18, $0xC8;
	v18 =	vshll.u32 v18, $0x7  }
0xc2: {  	s25 =	sshll.u32 s21, $0x7;
	v18 =	vor.u32 v9, v18  }
0xc3: {  	v19 =	vor.u32 s25, v1;
	_ =	sdelay $0x2  }
0xc4: {  	s26 =	smul.u32 $0x5, s21  }
0xc5: {  	[tilespmem:v18+s14+$0x0] =	vst.idx.msk vm15, v0  }
0xc6: {  	s23 =	ssub.s32 s20, s26;
	v18 =	vld.idx.msk [tilespmem:v19+s3+$0x0], $0xffff  }
0xc7: {  	s23 =	sand.u32 $0xFF, s23  }
0xc8: {  	s24 =	smul.u32 $0xC8, s23;
	_ =	sdelay $0x1  }
0xc9: {  	v19 =	vmov s24  }
0xca: {  	v18 =	vsub.s32 v18, v19  }
0xcb: {  	vm4 =	vlt.u32 v18, $0xC8;
	v18 =	vshll.u32 v18, $0x7  }
0xcc: {  	v18 =	vor.u32 v1, v18  }
0xcd: {  	v43 =	vor.u32 s25, v3;
	_ =	sdelay $0x3  }
0xce: {  	[tilespmem:v18+s14+$0x0] =	vst.idx.msk vm4, v2  }
0xcf: {  	v18 =	vld.idx.msk [tilespmem:v43+s3+$0x0], $0xffff;
	_ =	sdelay $0x4  }
0xd0: {  	v18 =	vsub.s32 v18, v19  }
0xd1: {  	vm5 =	vlt.u32 v18, $0xC8;
	v18 =	vshll.u32 v18, $0x7  }
0xd2: {  	v18 =	vor.u32 v3, v18  }
0xd3: {  	v44 =	vor.u32 s25, v4;
	_ =	sdelay $0x3  }
0xd4: {  	[tilespmem:v18+s14+$0x0] =	vst.idx.msk vm5, v2  }
0xd5: {  	v18 =	vld.idx.msk [tilespmem:v44+s3+$0x0], $0xffff;
	_ =	sdelay $0x4  }
0xd6: {  	v18 =	vsub.s32 v18, v19  }
0xd7: {  	vm6 =	vlt.u32 v18, $0xC8;
	v18 =	vshll.u32 v18, $0x7  }
0xd8: {  	v18 =	vor.u32 v4, v18  }
0xd9: {  	v45 =	vor.u32 s25, v5;
	_ =	sdelay $0x3  }
0xda: {  	[tilespmem:v18+s14+$0x0] =	vst.idx.msk vm6, v2  }
0xdb: {  	v18 =	vld.idx.msk [tilespmem:v45+s3+$0x0], $0xffff;
	_ =	sdelay $0x4  }
0xdc: {  	v18 =	vsub.s32 v18, v19  }
0xdd: {  	vm7 =	vlt.u32 v18, $0xC8;
	v18 =	vshll.u32 v18, $0x7  }
0xde: {  	v18 =	vor.u32 v5, v18  }
0xdf: {  	v46 =	vor.u32 s25, v6;
	_ =	sdelay $0x3  }
0xe0: {  	[tilespmem:v18+s14+$0x0] =	vst.idx.msk vm7, v2  }
0xe1: {  	v18 =	vld.idx.msk [tilespmem:v46+s3+$0x0], $0xffff;
	_ =	sdelay $0x4  }
0xe2: {  	v18 =	vsub.s32 v18, v19  }
0xe3: {  	vm8 =	vlt.u32 v18, $0xC8;
	v18 =	vshll.u32 v18, $0x7  }
0xe4: {  	v18 =	vor.u32 v6, v18  }
0xe5: {  	v47 =	vor.u32 s25, v7;
	_ =	sdelay $0x3  }
0xe6: {  	[tilespmem:v18+s14+$0x0] =	vst.idx.msk vm8, v2  }
0xe7: {  	v18 =	vld.idx.msk [tilespmem:v47+s3+$0x0], $0xffff;
	_ =	sdelay $0x4  }
0xe8: {  	v18 =	vsub.s32 v18, v19  }
0xe9: {  	vm9 =	vlt.u32 v18, $0xC8;
	v18 =	vshll.u32 v18, $0x7  }
0xea: {  	v18 =	vor.u32 v7, v18  }
0xeb: {  	v48 =	vor.u32 s25, v8;
	_ =	sdelay $0x3  }
0xec: {  	[tilespmem:v18+s14+$0x0] =	vst.idx.msk vm9, v2  }
0xed: {  	v18 =	vld.idx.msk [tilespmem:v48+s3+$0x0], $0xffff;
	_ =	sdelay $0x4  }
0xee: {  	v18 =	vsub.s32 v18, v19  }
0xef: {  	vm10 =	vlt.u32 v18, $0xC8;
	v18 =	vshll.u32 v18, $0x7  }
0xf0: {  	v18 =	vor.u32 v8, v18  }
0xf1: {  	v49 =	vor.u32 s25, v9;
	_ =	sdelay $0x3  }
0xf2: {  	[tilespmem:v18+s14+$0x0] =	vst.idx.msk vm10, v2  }
0xf3: {  	v18 =	vld.idx.msk [tilespmem:v49+s3+$0x0], $0xffff;
	_ =	sdelay $0x2  }
0xf4: {  	s28 =	sadd.s32 $0xFFFFFFFF, s20  }
0xf5: {  	s30 =	sshll.u32 s28, $0x18  }
0xf6: {  	s29 =	smul.u32 $0x3E8000, s21;
	s21 =	sshra.s32 s30, $0x18;
	v18 =	vsub.s32 v18, v19  }
0xf7: {  	s21 =	smul.u32 $0x67, s21;
	vm11 =	vlt.u32 v18, $0xC8;
	v18 =	vshll.u32 v18, $0x7  }
0xf8: {  	s23 =	smul.u32 $0xC8000, s23;
	v18 =	vor.u32 v9, v18;
	_ =	sdelay $0x1  }
0xf9: {  	s31 =	sshrl.u32 s21, $0x1F;
	s21 =	sshra.s32 s21, $0x9;
	s20 =	sadd.s32 s23, s29  }
0xfa: {  	s21 =	sadd.s32 s31, s21;
	s20 =	sor.u32 s4, s20  }
0xfb: {  	s25 =	sshll.u32 s21, $0x7;
	s24 =	sshrl.u32 s20, $0x3  }
0xfc: {  	s21 =	smul.u32 $0xFFFFFFFB, s21;
	s23 =	sadd.s32 s2, s24;
	[tilespmem:v18+s14+$0x0] =	vst.idx.msk vm11, v2;
	v18 =	vor.u32 s25, v1  }
0xfd: {  	[hbm4b:s23+s10] =	stream.strided.scatter [tilespmem:s14], [sflag:$0x1], $0x6400, s11, s10, $0x38;
	[tilespmem:$0xD800] =	vst v63  }
0xfe: {  	s21 =	sadd.s32 s28, s21;
	_ =	swait.ge [sflag:s17], $0x6400  }
0xff: {  	s21 =	sshll.u32 s21, $0x18;
	[sflag:s17] =	ssyncset.done $0x0  }
0x100: {  	s21 =	sshra.s32 s21, $0x18;
	[sflag:s17] =	ssyncadd.s32 $0xFFFF9C00  }
0x101: {  	p0 =	slt.s32 s21, $0x0;
	s22 =	sadd.s32 $0x5, s21;
	v18 =	vld.idx.msk [tilespmem:v18+s3+$0x0], $0xffff  }
0x102: {  	s21 =	smov.u32 @p0 s22  }
0x103: {  	s21 =	smul.u32 $0xC8, s21;
	_ =	sdelay $0x1  }
0x104: {  	v19 =	vmov s21  }
0x105: {  	v18 =	vsub.s32 v18, v19  }
0x106: {  	vm12 =	vlt.u32 v18, $0xC8;
	v18 =	vshll.u32 v18, $0x7  }
0x107: {  	v18 =	vor.u32 v1, v18  }
0x108: {  	v50 =	vor.u32 s25, v3;
	_ =	sdelay $0x3  }
0x109: {  	[tilespmem:v18+s15+$0x0] =	vst.idx.msk vm12, v0  }
0x10a: {  	v18 =	vld.idx.msk [tilespmem:v50+s3+$0x0], $0xffff;
	_ =	sdelay $0x4  }
0x10b: {  	v18 =	vsub.s32 v18, v19  }
0x10c: {  	vm13 =	vlt.u32 v18, $0xC8;
	v18 =	vshll.u32 v18, $0x7  }
0x10d: {  	v18 =	vor.u32 v3, v18  }
0x10e: {  	v51 =	vor.u32 s25, v4;
	_ =	sdelay $0x3  }
0x10f: {  	[tilespmem:v18+s15+$0x0] =	vst.idx.msk vm13, v0  }
0x110: {  	v18 =	vld.idx.msk [tilespmem:v51+s3+$0x0], $0xffff;
	_ =	sdelay $0x4  }
0x111: {  	v18 =	vsub.s32 v18, v19  }
0x112: {  	vm14 =	vlt.u32 v18, $0xC8;
	v18 =	vshll.u32 v18, $0x7  }
0x113: {  	v18 =	vor.u32 v4, v18  }
0x114: {  	v52 =	vor.u32 s25, v5;
	_ =	sdelay $0x3  }
0x115: {  	[tilespmem:v18+s15+$0x0] =	vst.idx.msk vm14, v0  }
0x116: {  	v18 =	vld.idx.msk [tilespmem:v52+s3+$0x0], $0xffff;
	_ =	sdelay $0x4  }
0x117: {  	v18 =	vsub.s32 v18, v19  }
0x118: {  	vm15 =	vlt.u32 v18, $0xC8;
	v18 =	vshll.u32 v18, $0x7  }
0x119: {  	v18 =	vor.u32 v5, v18  }
0x11a: {  	v53 =	vor.u32 s25, v6;
	_ =	sdelay $0x3  }
0x11b: {  	[tilespmem:v18+s15+$0x0] =	vst.idx.msk vm15, v0  }
0x11c: {  	v18 =	vld.idx.msk [tilespmem:v53+s3+$0x0], $0xffff;
	_ =	sdelay $0x4  }
0x11d: {  	v18 =	vsub.s32 v18, v19  }
0x11e: {  	vm4 =	vlt.u32 v18, $0xC8;
	v18 =	vshll.u32 v18, $0x7  }
0x11f: {  	v18 =	vor.u32 v6, v18  }
0x120: {  	v54 =	vor.u32 s25, v7;
	_ =	sdelay $0x3  }
0x121: {  	[tilespmem:v18+s15+$0x0] =	vst.idx.msk vm4, v0  }
0x122: {  	v18 =	vld.idx.msk [tilespmem:v54+s3+$0x0], $0xffff;
	_ =	sdelay $0x4  }
0x123: {  	v18 =	vsub.s32 v18, v19  }
0x124: {  	vm5 =	vlt.u32 v18, $0xC8;
	v18 =	vshll.u32 v18, $0x7  }
0x125: {  	v18 =	vor.u32 v7, v18  }
0x126: {  	v55 =	vor.u32 s25, v8;
	_ =	sdelay $0x3  }
0x127: {  	[tilespmem:v18+s15+$0x0] =	vst.idx.msk vm5, v0  }
0x128: {  	v18 =	vld.idx.msk [tilespmem:v55+s3+$0x0], $0xffff;
	_ =	sdelay $0x4  }
0x129: {  	v18 =	vsub.s32 v18, v19  }
0x12a: {  	vm6 =	vlt.u32 v18, $0xC8;
	v18 =	vshll.u32 v18, $0x7  }
0x12b: {  	v18 =	vor.u32 v8, v18  }
0x12c: {  	v56 =	vor.u32 s25, v9;
	_ =	sdelay $0x3  }
0x12d: {  	[tilespmem:v18+s15+$0x0] =	vst.idx.msk vm6, v0  }
0x12e: {  	v18 =	vld.idx.msk [tilespmem:v56+s3+$0x0], $0xffff;
	_ =	sdelay $0x1  }
0x12f: {  	s26 =	sshllo.u32 s19, $0x1  }
0x130: {  	s28 =	sand.u32 $0xFF, s26  }
0x131: {  	s20 =	smul.u32 $0xCD, s28  }
0x132: {  	v18 =	vsub.s32 v18, v19  }
0x133: {  	s20 =	sshrl.u32 s20, $0xA;
	vm7 =	vlt.u32 v18, $0xC8;
	v18 =	vshll.u32 v18, $0x7  }
0x134: {  	s29 =	sshll.u32 s20, $0x7;
	v18 =	vor.u32 v9, v18  }
0x135: {  	v19 =	vor.u32 s29, v1;
	_ =	sdelay $0x2  }
0x136: {  	s30 =	smul.u32 $0x5, s20  }
0x137: {  	[tilespmem:v18+s15+$0x0] =	vst.idx.msk vm7, v0  }
0x138: {  	s21 =	ssub.s32 s26, s30;
	v18 =	vld.idx.msk [tilespmem:v19+s3+$0x0], $0xffff  }
0x139: {  	s21 =	sand.u32 $0xFF, s21  }
0x13a: {  	s31 =	smul.u32 $0xC8, s21;
	_ =	sdelay $0x1  }
0x13b: {  	v19 =	vmov s31  }
0x13c: {  	v18 =	vsub.s32 v18, v19  }
0x13d: {  	vm8 =	vlt.u32 v18, $0xC8;
	v18 =	vshll.u32 v18, $0x7  }
0x13e: {  	v18 =	vor.u32 v1, v18  }
0x13f: {  	v57 =	vor.u32 s29, v3;
	_ =	sdelay $0x3  }
0x140: {  	[tilespmem:v18+s15+$0x0] =	vst.idx.msk vm8, v2  }
0x141: {  	v18 =	vld.idx.msk [tilespmem:v57+s3+$0x0], $0xffff;
	_ =	sdelay $0x4  }
0x142: {  	v18 =	vsub.s32 v18, v19  }
0x143: {  	vm9 =	vlt.u32 v18, $0xC8;
	v18 =	vshll.u32 v18, $0x7  }
0x144: {  	v18 =	vor.u32 v3, v18  }
0x145: {  	v58 =	vor.u32 s29, v4;
	_ =	sdelay $0x3  }
0x146: {  	[tilespmem:v18+s15+$0x0] =	vst.idx.msk vm9, v2  }
0x147: {  	v18 =	vld.idx.msk [tilespmem:v58+s3+$0x0], $0xffff;
	_ =	sdelay $0x4  }
0x148: {  	v18 =	vsub.s32 v18, v19  }
0x149: {  	vm10 =	vlt.u32 v18, $0xC8;
	v18 =	vshll.u32 v18, $0x7  }
0x14a: {  	v18 =	vor.u32 v4, v18  }
0x14b: {  	v59 =	vor.u32 s29, v5;
	_ =	sdelay $0x3  }
0x14c: {  	[tilespmem:v18+s15+$0x0] =	vst.idx.msk vm10, v2  }
0x14d: {  	v18 =	vld.idx.msk [tilespmem:v59+s3+$0x0], $0xffff;
	_ =	sdelay $0x4  }
0x14e: {  	v18 =	vsub.s32 v18, v19  }
0x14f: {  	vm11 =	vlt.u32 v18, $0xC8;
	v18 =	vshll.u32 v18, $0x7  }
0x150: {  	v18 =	vor.u32 v5, v18  }
0x151: {  	v60 =	vor.u32 s29, v6;
	_ =	sdelay $0x3  }
0x152: {  	[tilespmem:v18+s15+$0x0] =	vst.idx.msk vm11, v2  }
0x153: {  	v18 =	vld.idx.msk [tilespmem:v60+s3+$0x0], $0xffff;
	_ =	sdelay $0x4  }
0x154: {  	v18 =	vsub.s32 v18, v19  }
0x155: {  	vm12 =	vlt.u32 v18, $0xC8;
	v18 =	vshll.u32 v18, $0x7  }
0x156: {  	v18 =	vor.u32 v6, v18  }
0x157: {  	v61 =	vor.u32 s29, v7;
	_ =	sdelay $0x3  }
0x158: {  	[tilespmem:v18+s15+$0x0] =	vst.idx.msk vm12, v2  }
0x159: {  	v18 =	vld.idx.msk [tilespmem:v61+s3+$0x0], $0xffff;
	_ =	sdelay $0x4  }
0x15a: {  	v18 =	vsub.s32 v18, v19  }
0x15b: {  	vm13 =	vlt.u32 v18, $0xC8;
	v18 =	vshll.u32 v18, $0x7  }
0x15c: {  	v18 =	vor.u32 v7, v18  }
0x15d: {  	v62 =	vor.u32 s29, v8;
	_ =	sdelay $0x3  }
0x15e: {  	[tilespmem:v18+s15+$0x0] =	vst.idx.msk vm13, v2  }
0x15f: {  	v18 =	vld.idx.msk [tilespmem:v62+s3+$0x0], $0xffff;
	_ =	sdelay $0x4  }
0x160: {  	v18 =	vsub.s32 v18, v19  }
0x161: {  	vm14 =	vlt.u32 v18, $0xC8;
	v18 =	vshll.u32 v18, $0x7  }
0x162: {  	v18 =	vor.u32 v8, v18  }
0x163: {  	v63 =	vor.u32 s29, v9;
	_ =	sdelay $0x3  }
0x164: {  	[tilespmem:v18+s15+$0x0] =	vst.idx.msk vm14, v2  }
0x165: {  	v18 =	vld.idx.msk [tilespmem:v63+s3+$0x0], $0xffff;
	_ =	sdelay $0x4  }
0x166: {  	v18 =	vsub.s32 v18, v19  }
0x167: {  	s20 =	smul.u32 $0x3E8000, s20;
	vm15 =	vlt.u32 v18, $0xC8;
	v18 =	vshll.u32 v18, $0x7  }
0x168: {  	s21 =	smul.u32 $0xC8000, s21;
	v18 =	vor.u32 v9, v18  }
0x169: {  	p0 =	sne.s32 s19, $0x40  }
.Ltmp2:
0x16a: {  	s20 =	sadd.s32 s21, s20;
	(pc) =	sbr.rel @p0 .LBB2_6-.Ltmp2, $4  }
0x16b: {  	s20 =	sor.u32 s4, s20  }
0x16c: {  	s20 =	sshrl.u32 s20, $0x3  }
0x16d: {  	s19 =	sadd.s32 $0x1, s19;
	s20 =	sadd.s32 s2, s20;
	[tilespmem:v18+s15+$0x0] =	vst.idx.msk vm15, v2  }
0x16e: {  	[hbm4b:s20+s10] =	stream.strided.scatter [tilespmem:s15], [sflag:$0x2], $0x6400, s11, s10, $0x38;
	[tilespmem:$0xD800] =	vst v63  }
0x16f: {  	s18 =	sadd.s32 $0x1, s18  }
0x170: {  	_ =	swait.ge [sflag:s16], $0x6400;
	p0 =	sne.s32 s18, s9  }
.Ltmp3:
0x171: {  	[sflag:s16] =	ssyncset.done $0x0;
	(pc) =	sbr.rel @p0 .LBB2_1-.Ltmp3, $4  }
0x172: {  	[sflag:s16] =	ssyncadd.s32 $0xFFFF9C00  }
0x173: {  	_ =	swait.ge [sflag:s17], $0x6400  }
0x174: {  	[sflag:s17] =	ssyncset.done $0x0  }
0x175: {  	[sflag:s17] =	ssyncadd.s32 $0xFFFF9C00  }
0x176: {  	_ =	sfence.sel $0x180000  }
0x177: {  	[bflag:$0x0] =	sbarrier.arrive $0xFFFF  }
0x178: {  	p0 =	sne.s32 s1, $0x0;
	_ =	strace $0x90000047  }
0x179: {  	s0 =	sadd.s32 @!p0 $0x100000, s0;
	[bflag:$0x2] =	sbarrier.arrive $0xFFFF  }
0x17a: {  	[sflag:s0] =	ssyncadd.tile.s32 @!p0 $0x1;
	_ =	shalt  }
.Lfunc_end2:
_tile_overlayer_lowered:
.L_overlay_start_2:
0x17b: {  	(tag) =	ssettag $0x2  }
0x17c: {  	s0 =	rddreg [dreg:$0x0];
	s2 =	stileid.u32  }
0x17d: {  	s1 =	rddreg [dreg:$0x1];
	p0 =	sne.s32 s2, $0x0  }
0x17e: {  	s3 =	rddreg [dreg:$0x2];
	[bflag:$0x3] =	sbarrier.arrive $0xFFFF;
	s2 =	simm.s32 @!p0 $0x1C03  }
0x17f: {  	[timem:s3], [sflag:s2] =	dma.local @!p0 [hbm:s0], s1  }
0x180: {  	s0 =	simm.s32 @!p0 $0x3  }
0x181: {  	_ =	swait.ge @!p0 [sflag:s0], s1  }
0x182: {  	s1 =	ssub.s32 @!p0 $0x0, s1;
	[sflag:s0] =	ssyncset.done @!p0 $0x0  }
0x183: {  	[sflag:s0] =	ssyncadd.s32 @!p0 s1  }
0x184: {  	[bflag:$0x3] =	sbarrier.arrive $0xFFFF  }
0x185: {  	_ =	shalt  }

</sc_bundles>
